<compile_context>
chip_gen: v7x
topology: tpu7x:2x2x1
jax: 0.10.2.dev20260603
libtpu: 0.0.44.dev20260713+nightly
codegen_flags: <defaults>
</compile_context>

<pallas_src>
import functools

import jax
import jax.numpy as jnp
from jax import lax
from jax.experimental import pallas as pl
from jax.experimental.pallas import tpu as pltpu
from jax.experimental.pallas import tpu_sc as plsc

N_ROWS = 1_000_000
DIM = 32
BATCH = 16384

_info = plsc.get_sparse_core_info()
_NC, _NS = _info.num_cores, _info.num_subcores
_NW = _NC * _NS
_B_PER_W = BATCH // _NW
_G = 8
_NGROUPS = _B_PER_W // _G
_NBANKS = 3


def _gather_body(x_hbm, tableT_hbm, outT_hbm, idx_v, blocks_v, cols_v, sem):
    wid = lax.axis_index("s") * _NC + lax.axis_index("c")
    base = wid * _B_PER_W
    pltpu.sync_copy(x_hbm.at[pl.ds(base, _B_PER_W)], idx_v.at[pl.ds(0, _B_PER_W)])

    iota = lax.broadcasted_iota(jnp.int32, (16,), 0)

    def _fire(idx16, l, bank):
        i = idx16[l]
        col0 = pl.multiple_of((i // 128) * 128, 128)
        pltpu.async_copy(
            tableT_hbm.at[:, pl.ds(col0, 128)],
            blocks_v.at[bank, l],
            sem,
        )

    idx16_0 = idx_v[pl.ds(0, 16)]
    idx16_1 = idx_v[pl.ds(_G, 16)]
    for l in range(_G):
        _fire(idx16_0, l, 0)
    for l in range(_G):
        _fire(idx16_1, l, 1)

    def _step(g, carry):
        idx16_cur, idx16_next = carry
        bank = lax.rem(g, _NBANKS)
        idx16_fire = idx_v[pl.ds((g + 2) * _G, 16)]

        @pl.when(g < _NGROUPS - 2)
        def _():
            fire_bank = lax.rem(g + 2, _NBANKS)
            for l in range(_G):
                _fire(idx16_fire, l, fire_bank)

        for l in range(_G):
            pltpu.make_async_copy(
                tableT_hbm.at[:, pl.ds(0, 128)],
                blocks_v.at[bank, l],
                sem,
            ).wait()

        for l in range(_G):
            r = lax.rem(idx16_cur[l], 128)
            rvec = lax.broadcast(r, (16,))
            b = g * _G + l
            bvec = lax.broadcast(b, (16,))
            for h in range(2):
                rows = iota + 16 * h
                vals = plsc.load_gather(blocks_v.at[bank, l], [rows, rvec])
                plsc.store_scatter(cols_v, [rows, bvec], vals)
        return (idx16_next, idx16_fire)

    lax.fori_loop(0, _NGROUPS, _step, (idx16_0, idx16_1), unroll=False)
    pltpu.sync_copy(cols_v, outT_hbm.at[:, pl.ds(base, _B_PER_W)])


@jax.jit
def _gather(x, tableT):
    mesh = plsc.VectorSubcoreMesh(core_axis_name="c", subcore_axis_name="s")
    kern = functools.partial(
        pl.kernel,
        mesh=mesh,
        out_type=jax.ShapeDtypeStruct((DIM, BATCH), jnp.float32),
        scratch_types=[
            pltpu.VMEM((_B_PER_W + 2 * 16, ), jnp.int32),
            pltpu.VMEM((_NBANKS, _G, DIM, 128), jnp.float32),
            pltpu.VMEM((DIM, _B_PER_W), jnp.float32),
            pltpu.SemaphoreType.DMA,
        ],
        compiler_params=pltpu.CompilerParams(needs_layout_passes=False),
    )(_gather_body)
    return kern(x, tableT)


def kernel(x, table):
    return _gather(x, table.T).T

# --- scband reference (transcript-rebuilt; emitter-appended) ---
"""Pipeline reference for scband-autodecoder-8392366096527 (READ-ONLY COPY).

The authoritative reference and input builder live on the scoring server;
editing this copy changes nothing except your own understanding.
"""

import jax, jax.numpy as jnp
import numpy as np

N_INSTANCES = 1000000
ENCODING_DIM = 32
INIT_SCALE = 1.0
BATCH = 16384


def setup_inputs(seed: int = 0) -> dict:
    key = jax.random.key(seed)
    k_idx, k_tab = jax.random.split(key)
    x = jax.random.randint(k_idx, (BATCH,), 0, N_INSTANCES, dtype=jnp.int64) if jax.config.jax_enable_x64 else jax.random.randint(k_idx, (BATCH,), 0, N_INSTANCES).astype(jnp.int32)
    # Embedding table (torch.nn.Embedding default init is N(0,1)), scaled by init_scale
    table = jax.random.normal(k_tab, (N_INSTANCES, ENCODING_DIM), dtype=jnp.float32) * INIT_SCALE
    return {"x": x, "table": table}


def reference(x, table):
    # Autodecoder.forward: embedding lookup of integer keys
    codes = jnp.take(table, x, axis=0)
    return codes

if __name__ == "__main__":
    import jax
    _d = setup_inputs()
    print(jax.jit(kernel)(*tuple(_d.values())))

</pallas_src>

<mosaic_0001>
#map = affine_map<(d0, d1) -> (0)>
#map1 = affine_map<(d0, d1) -> (0, 0)>
module attributes {stable_mosaic.version = 14 : i64} {
  func.func @_gather_body(%arg0: i32, %arg1: i32, %arg2: memref<16384xi32, #tpu.memory_space<hbm>>, %arg3: memref<32x1000000xf32, #tpu.memory_space<hbm>>, %arg4: memref<32x16384xf32, #tpu.memory_space<hbm>>, %arg5: memref<544xi32, #tpu.memory_space<vmem>>, %arg6: memref<3x8x32x128xf32, #tpu.memory_space<vmem>>, %arg7: memref<32x512xf32, #tpu.memory_space<vmem>>, %arg8: memref<!tpu.dma_semaphore, #tpu.memory_space<semaphore_mem>>) attributes {dimension_semantics = [#tpu.dimension_semantics<core_parallel>, #tpu.dimension_semantics<subcore_parallel>], iteration_bounds = array<i64: 2, 16>, scalar_prefetch = 0 : i64, scratch_operands = 4 : i64, tpu.core_type = #tpu.core_type<sc_vector_subcore>, window_params = [{transform_indices = #map}, {transform_indices = #map1}, {transform_indices = #map1}]} {
    %mul3A = arith.constant 2 : i32
    %mul3A_0 = arith.muli %arg1, %mul3A : i32
    %add3A = arith.addi %mul3A_0, %arg0 : i32
    %mul3A_1 = arith.constant 512 : i32
    %mul3A_2 = arith.muli %add3A, %mul3A_1 : i32
    "tpu.region"() ({
      %run_scoped3A = tpu.sem_alloc : memref<!tpu.dma_semaphore, #tpu.memory_space<semaphore_mem>>
      %dma_start3A_687 = arith.constant 0 : i32
      %dma_start3A_688 = tpu.memref_slice %arg5[%dma_start3A_687] : memref<544xi32, #tpu.memory_space<vmem>> -> memref<512xi32, #tpu.memory_space<vmem>>
      %dma_start3A_689 = tpu.memref_slice %arg2[%mul3A_2] : memref<16384xi32, #tpu.memory_space<hbm>> -> memref<512xi32, #tpu.memory_space<hbm>>
      %dma_start3A_690 = arith.constant 0 : i32
      %dma_start3A_691 = tpu.memref_slice %arg5[%dma_start3A_690] : memref<544xi32, #tpu.memory_space<vmem>> -> memref<512xi32, #tpu.memory_space<vmem>>
      %dma_start3A_692 = tpu.memref_slice %arg2[%mul3A_2] : memref<16384xi32, #tpu.memory_space<hbm>> -> memref<512xi32, #tpu.memory_space<hbm>>
      tpu.enqueue_dma source(%dma_start3A_692 : memref<512xi32, #tpu.memory_space<hbm>>) target(%dma_start3A_691 : memref<512xi32, #tpu.memory_space<vmem>>) target_semaphore(%run_scoped3A : memref<!tpu.dma_semaphore, #tpu.memory_space<semaphore_mem>>)
      %dma_wait3A = arith.constant 0 : i32
      %dma_wait3A_693 = tpu.memref_slice %arg5[%dma_wait3A] : memref<544xi32, #tpu.memory_space<vmem>> -> memref<512xi32, #tpu.memory_space<vmem>>
      %dma_wait3A_694 = tpu.memref_slice %arg2[%mul3A_2] : memref<16384xi32, #tpu.memory_space<hbm>> -> memref<512xi32, #tpu.memory_space<hbm>>
      %dma_wait3A_695 = arith.constant 0 : i32
      %dma_wait3A_696 = tpu.memref_slice %arg5[%dma_wait3A_695] : memref<544xi32, #tpu.memory_space<vmem>> -> memref<512xi32, #tpu.memory_space<vmem>>
      %dma_wait3A_697 = tpu.memref_slice %arg2[%mul3A_2] : memref<16384xi32, #tpu.memory_space<hbm>> -> memref<512xi32, #tpu.memory_space<hbm>>
      tpu.wait_dma2 semaphore(%run_scoped3A : memref<!tpu.dma_semaphore, #tpu.memory_space<semaphore_mem>>) src(%dma_wait3A_697 : memref<512xi32, #tpu.memory_space<hbm>>) dst(%dma_wait3A_696 : memref<512xi32, #tpu.memory_space<vmem>>)
      tpu.yield
    }) : () -> ()
    %iota3A = tpu.iota {dimensions = array<i32: 0>} : vector<16xi32>
    %get3A = arith.constant 0 : index
    %get3A_3 = tpu.vector_load %arg5[%get3A] {strides = array<i32>} : memref<544xi32, #tpu.memory_space<vmem>>, vector<16xi32>,
    %get3A_4 = arith.constant 8 : index
    %get3A_5 = tpu.vector_load %arg5[%get3A_4] {strides = array<i32>} : memref<544xi32, #tpu.memory_space<vmem>>, vector<16xi32>,
    %slice3A = vector.extract_strided_slice %get3A_3 {offsets = [0], sizes = [1], strides = [1]} : vector<16xi32> to vector<1xi32>
    %squeeze3A = vector.extract %slice3A[0] : i32 from vector<1xi32>
    %jit3A = arith.constant 128 : i32
    %div3A = arith.divsi %squeeze3A, %jit3A : i32
    %sign3A = arith.constant 0 : i32
    %sign3A_6 = arith.cmpi sgt, %squeeze3A, %sign3A : i32
    %sign3A_7 = arith.extui %sign3A_6 : i1 to i32
    %sign3A_8 = arith.constant 0 : i32
    %sign3A_9 = arith.cmpi slt, %squeeze3A, %sign3A_8 : i32
    %sign3A_10 = arith.extui %sign3A_9 : i1 to i32
    %sign3A_11 = arith.subi %sign3A_7, %sign3A_10 : i32
    %sign3A_12 = arith.constant 0 : i32
    %sign3A_13 = arith.cmpi sgt, %jit3A, %sign3A_12 : i32
    %sign3A_14 = arith.extui %sign3A_13 : i1 to i32
    %sign3A_15 = arith.constant 0 : i32
    %sign3A_16 = arith.cmpi slt, %jit3A, %sign3A_15 : i32
    %sign3A_17 = arith.extui %sign3A_16 : i1 to i32
    %sign3A_18 = arith.subi %sign3A_14, %sign3A_17 : i32
    %ne3A = arith.cmpi ne, %sign3A_11, %sign3A_18 : i32
    %rem3A = arith.remsi %squeeze3A, %jit3A : i32
    %ne3A_19 = arith.constant 0 : i32
    %ne3A_20 = arith.cmpi ne, %rem3A, %ne3A_19 : i32
    %and3A = arith.andi %ne3A, %ne3A_20 : i1
    %sub3A = arith.constant 1 : i32
    %sub3A_21 = arith.subi %div3A, %sub3A : i32
    %select_n3A = arith.select %and3A, %sub3A_21, %div3A : i32
    %mul3A_22 = arith.constant 128 : i32
    %mul3A_23 = arith.muli %select_n3A, %mul3A_22 : i32
    %multiple_of3A = tpu.assume_multiple %mul3A_23, 128 : i32
    %dma_start3A = arith.constant 0 : i32
    %dma_start3A_24 = arith.constant 0 : i32
    %dma_start3A_25 = arith.constant 0 : i32
    %dma_start3A_26 = arith.constant 0 : i32
    %dma_start3A_27 = tpu.memref_slice %arg6[%dma_start3A, %dma_start3A_24, %dma_start3A_25, %dma_start3A_26] : memref<3x8x32x128xf32, #tpu.memory_space<vmem>> -> memref<1x1x32x128xf32, #tpu.memory_space<vmem>>
    %dma_start3A_28 = tpu.memref_squeeze %dma_start3A_27 : memref<1x1x32x128xf32, #tpu.memory_space<vmem>> -> memref<32x128xf32, #tpu.memory_space<vmem>>
    %dma_start3A_29 = arith.constant 0 : i32
    %dma_start3A_30 = tpu.memref_slice %arg3[%dma_start3A_29, %multiple_of3A] : memref<32x1000000xf32, #tpu.memory_space<hbm>> -> memref<32x128xf32, #tpu.memory_space<hbm>>
    %dma_start3A_31 = arith.constant 0 : i32
    %dma_start3A_32 = arith.constant 0 : i32
    %dma_start3A_33 = tpu.memref_slice %arg6[%dma_start3A, %dma_start3A_24, %dma_start3A_31, %dma_start3A_32] : memref<3x8x32x128xf32, #tpu.memory_space<vmem>> -> memref<1x1x32x128xf32, #tpu.memory_space<vmem>>
    %dma_start3A_34 = tpu.memref_squeeze %dma_start3A_33 : memref<1x1x32x128xf32, #tpu.memory_space<vmem>> -> memref<32x128xf32, #tpu.memory_space<vmem>>
    %dma_start3A_35 = arith.constant 0 : i32
    %dma_start3A_36 = tpu.memref_slice %arg3[%dma_start3A_35, %multiple_of3A] : memref<32x1000000xf32, #tpu.memory_space<hbm>> -> memref<32x128xf32, #tpu.memory_space<hbm>>
    tpu.enqueue_dma source(%dma_start3A_36 : memref<32x128xf32, #tpu.memory_space<hbm>>) target(%dma_start3A_34 : memref<32x128xf32, #tpu.memory_space<vmem>>) target_semaphore(%arg8 : memref<!tpu.dma_semaphore, #tpu.memory_space<semaphore_mem>>)
    %slice3A_37 = vector.extract_strided_slice %get3A_3 {offsets = [1], sizes = [1], strides = [1]} : vector<16xi32> to vector<1xi32>
    %squeeze3A_38 = vector.extract %slice3A_37[0] : i32 from vector<1xi32>
    %jit3A_39 = arith.constant 128 : i32
    %div3A_40 = arith.divsi %squeeze3A_38, %jit3A_39 : i32
    %sign3A_41 = arith.constant 0 : i32
    %sign3A_42 = arith.cmpi sgt, %squeeze3A_38, %sign3A_41 : i32
    %sign3A_43 = arith.extui %sign3A_42 : i1 to i32
    %sign3A_44 = arith.constant 0 : i32
    %sign3A_45 = arith.cmpi slt, %squeeze3A_38, %sign3A_44 : i32
    %sign3A_46 = arith.extui %sign3A_45 : i1 to i32
    %sign3A_47 = arith.subi %sign3A_43, %sign3A_46 : i32
    %sign3A_48 = arith.constant 0 : i32
    %sign3A_49 = arith.cmpi sgt, %jit3A_39, %sign3A_48 : i32
    %sign3A_50 = arith.extui %sign3A_49 : i1 to i32
    %sign3A_51 = arith.constant 0 : i32
    %sign3A_52 = arith.cmpi slt, %jit3A_39, %sign3A_51 : i32
    %sign3A_53 = arith.extui %sign3A_52 : i1 to i32
    %sign3A_54 = arith.subi %sign3A_50, %sign3A_53 : i32
    %ne3A_55 = arith.cmpi ne, %sign3A_47, %sign3A_54 : i32
    %rem3A_56 = arith.remsi %squeeze3A_38, %jit3A_39 : i32
    %ne3A_57 = arith.constant 0 : i32
    %ne3A_58 = arith.cmpi ne, %rem3A_56, %ne3A_57 : i32
    %and3A_59 = arith.andi %ne3A_55, %ne3A_58 : i1
    %sub3A_60 = arith.constant 1 : i32
    %sub3A_61 = arith.subi %div3A_40, %sub3A_60 : i32
    %select_n3A_62 = arith.select %and3A_59, %sub3A_61, %div3A_40 : i32
    %mul3A_63 = arith.constant 128 : i32
    %mul3A_64 = arith.muli %select_n3A_62, %mul3A_63 : i32
    %multiple_of3A_65 = tpu.assume_multiple %mul3A_64, 128 : i32
    %dma_start3A_66 = arith.constant 0 : i32
    %dma_start3A_67 = arith.constant 1 : i32
    %dma_start3A_68 = arith.constant 0 : i32
    %dma_start3A_69 = arith.constant 0 : i32
    %dma_start3A_70 = tpu.memref_slice %arg6[%dma_start3A_66, %dma_start3A_67, %dma_start3A_68, %dma_start3A_69] : memref<3x8x32x128xf32, #tpu.memory_space<vmem>> -> memref<1x1x32x128xf32, #tpu.memory_space<vmem>>
    %dma_start3A_71 = tpu.memref_squeeze %dma_start3A_70 : memref<1x1x32x128xf32, #tpu.memory_space<vmem>> -> memref<32x128xf32, #tpu.memory_space<vmem>>
    %dma_start3A_72 = arith.constant 0 : i32
    %dma_start3A_73 = tpu.memref_slice %arg3[%dma_start3A_72, %multiple_of3A_65] : memref<32x1000000xf32, #tpu.memory_space<hbm>> -> memref<32x128xf32, #tpu.memory_space<hbm>>
    %dma_start3A_74 = arith.constant 0 : i32
    %dma_start3A_75 = arith.constant 0 : i32
    %dma_start3A_76 = tpu.memref_slice %arg6[%dma_start3A_66, %dma_start3A_67, %dma_start3A_74, %dma_start3A_75] : memref<3x8x32x128xf32, #tpu.memory_space<vmem>> -> memref<1x1x32x128xf32, #tpu.memory_space<vmem>>
    %dma_start3A_77 = tpu.memref_squeeze %dma_start3A_76 : memref<1x1x32x128xf32, #tpu.memory_space<vmem>> -> memref<32x128xf32, #tpu.memory_space<vmem>>
    %dma_start3A_78 = arith.constant 0 : i32
    %dma_start3A_79 = tpu.memref_slice %arg3[%dma_start3A_78, %multiple_of3A_65] : memref<32x1000000xf32, #tpu.memory_space<hbm>> -> memref<32x128xf32, #tpu.memory_space<hbm>>
    tpu.enqueue_dma source(%dma_start3A_79 : memref<32x128xf32, #tpu.memory_space<hbm>>) target(%dma_start3A_77 : memref<32x128xf32, #tpu.memory_space<vmem>>) target_semaphore(%arg8 : memref<!tpu.dma_semaphore, #tpu.memory_space<semaphore_mem>>)
    %slice3A_80 = vector.extract_strided_slice %get3A_3 {offsets = [2], sizes = [1], strides = [1]} : vector<16xi32> to vector<1xi32>
    %squeeze3A_81 = vector.extract %slice3A_80[0] : i32 from vector<1xi32>
    %jit3A_82 = arith.constant 128 : i32
    %div3A_83 = arith.divsi %squeeze3A_81, %jit3A_82 : i32
    %sign3A_84 = arith.constant 0 : i32
    %sign3A_85 = arith.cmpi sgt, %squeeze3A_81, %sign3A_84 : i32
    %sign3A_86 = arith.extui %sign3A_85 : i1 to i32
    %sign3A_87 = arith.constant 0 : i32
    %sign3A_88 = arith.cmpi slt, %squeeze3A_81, %sign3A_87 : i32
    %sign3A_89 = arith.extui %sign3A_88 : i1 to i32
    %sign3A_90 = arith.subi %sign3A_86, %sign3A_89 : i32
    %sign3A_91 = arith.constant 0 : i32
    %sign3A_92 = arith.cmpi sgt, %jit3A_82, %sign3A_91 : i32
    %sign3A_93 = arith.extui %sign3A_92 : i1 to i32
    %sign3A_94 = arith.constant 0 : i32
    %sign3A_95 = arith.cmpi slt, %jit3A_82, %sign3A_94 : i32
    %sign3A_96 = arith.extui %sign3A_95 : i1 to i32
    %sign3A_97 = arith.subi %sign3A_93, %sign3A_96 : i32
    %ne3A_98 = arith.cmpi ne, %sign3A_90, %sign3A_97 : i32
    %rem3A_99 = arith.remsi %squeeze3A_81, %jit3A_82 : i32
    %ne3A_100 = arith.constant 0 : i32
    %ne3A_101 = arith.cmpi ne, %rem3A_99, %ne3A_100 : i32
    %and3A_102 = arith.andi %ne3A_98, %ne3A_101 : i1
    %sub3A_103 = arith.constant 1 : i32
    %sub3A_104 = arith.subi %div3A_83, %sub3A_103 : i32
    %select_n3A_105 = arith.select %and3A_102, %sub3A_104, %div3A_83 : i32
    %mul3A_106 = arith.constant 128 : i32
    %mul3A_107 = arith.muli %select_n3A_105, %mul3A_106 : i32
    %multiple_of3A_108 = tpu.assume_multiple %mul3A_107, 128 : i32
    %dma_start3A_109 = arith.constant 0 : i32
    %dma_start3A_110 = arith.constant 2 : i32
    %dma_start3A_111 = arith.constant 0 : i32
    %dma_start3A_112 = arith.constant 0 : i32
    %dma_start3A_113 = tpu.memref_slice %arg6[%dma_start3A_109, %dma_start3A_110, %dma_start3A_111, %dma_start3A_112] : memref<3x8x32x128xf32, #tpu.memory_space<vmem>> -> memref<1x1x32x128xf32, #tpu.memory_space<vmem>>
    %dma_start3A_114 = tpu.memref_squeeze %dma_start3A_113 : memref<1x1x32x128xf32, #tpu.memory_space<vmem>> -> memref<32x128xf32, #tpu.memory_space<vmem>>
    %dma_start3A_115 = arith.constant 0 : i32
    %dma_start3A_116 = tpu.memref_slice %arg3[%dma_start3A_115, %multiple_of3A_108] : memref<32x1000000xf32, #tpu.memory_space<hbm>> -> memref<32x128xf32, #tpu.memory_space<hbm>>
    %dma_start3A_117 = arith.constant 0 : i32
    %dma_start3A_118 = arith.constant 0 : i32
    %dma_start3A_119 = tpu.memref_slice %arg6[%dma_start3A_109, %dma_start3A_110, %dma_start3A_117, %dma_start3A_118] : memref<3x8x32x128xf32, #tpu.memory_space<vmem>> -> memref<1x1x32x128xf32, #tpu.memory_space<vmem>>
    %dma_start3A_120 = tpu.memref_squeeze %dma_start3A_119 : memref<1x1x32x128xf32, #tpu.memory_space<vmem>> -> memref<32x128xf32, #tpu.memory_space<vmem>>
    %dma_start3A_121 = arith.constant 0 : i32
    %dma_start3A_122 = tpu.memref_slice %arg3[%dma_start3A_121, %multiple_of3A_108] : memref<32x1000000xf32, #tpu.memory_space<hbm>> -> memref<32x128xf32, #tpu.memory_space<hbm>>
    tpu.enqueue_dma source(%dma_start3A_122 : memref<32x128xf32, #tpu.memory_space<hbm>>) target(%dma_start3A_120 : memref<32x128xf32, #tpu.memory_space<vmem>>) target_semaphore(%arg8 : memref<!tpu.dma_semaphore, #tpu.memory_space<semaphore_mem>>)
    %slice3A_123 = vector.extract_strided_slice %get3A_3 {offsets = [3], sizes = [1], strides = [1]} : vector<16xi32> to vector<1xi32>
    %squeeze3A_124 = vector.extract %slice3A_123[0] : i32 from vector<1xi32>
    %jit3A_125 = arith.constant 128 : i32
    %div3A_126 = arith.divsi %squeeze3A_124, %jit3A_125 : i32
    %sign3A_127 = arith.constant 0 : i32
    %sign3A_128 = arith.cmpi sgt, %squeeze3A_124, %sign3A_127 : i32
    %sign3A_129 = arith.extui %sign3A_128 : i1 to i32
    %sign3A_130 = arith.constant 0 : i32
    %sign3A_131 = arith.cmpi slt, %squeeze3A_124, %sign3A_130 : i32
    %sign3A_132 = arith.extui %sign3A_131 : i1 to i32
    %sign3A_133 = arith.subi %sign3A_129, %sign3A_132 : i32
    %sign3A_134 = arith.constant 0 : i32
    %sign3A_135 = arith.cmpi sgt, %jit3A_125, %sign3A_134 : i32
    %sign3A_136 = arith.extui %sign3A_135 : i1 to i32
    %sign3A_137 = arith.constant 0 : i32
    %sign3A_138 = arith.cmpi slt, %jit3A_125, %sign3A_137 : i32
    %sign3A_139 = arith.extui %sign3A_138 : i1 to i32
    %sign3A_140 = arith.subi %sign3A_136, %sign3A_139 : i32
    %ne3A_141 = arith.cmpi ne, %sign3A_133, %sign3A_140 : i32
    %rem3A_142 = arith.remsi %squeeze3A_124, %jit3A_125 : i32
    %ne3A_143 = arith.constant 0 : i32
    %ne3A_144 = arith.cmpi ne, %rem3A_142, %ne3A_143 : i32
    %and3A_145 = arith.andi %ne3A_141, %ne3A_144 : i1
    %sub3A_146 = arith.constant 1 : i32
    %sub3A_147 = arith.subi %div3A_126, %sub3A_146 : i32
    %select_n3A_148 = arith.select %and3A_145, %sub3A_147, %div3A_126 : i32
    %mul3A_149 = arith.constant 128 : i32
    %mul3A_150 = arith.muli %select_n3A_148, %mul3A_149 : i32
    %multiple_of3A_151 = tpu.assume_multiple %mul3A_150, 128 : i32
    %dma_start3A_152 = arith.constant 0 : i32
    %dma_start3A_153 = arith.constant 3 : i32
    %dma_start3A_154 = arith.constant 0 : i32
    %dma_start3A_155 = arith.constant 0 : i32
    %dma_start3A_156 = tpu.memref_slice %arg6[%dma_start3A_152, %dma_start3A_153, %dma_start3A_154, %dma_start3A_155] : memref<3x8x32x128xf32, #tpu.memory_space<vmem>> -> memref<1x1x32x128xf32, #tpu.memory_space<vmem>>
    %dma_start3A_157 = tpu.memref_squeeze %dma_start3A_156 : memref<1x1x32x128xf32, #tpu.memory_space<vmem>> -> memref<32x128xf32, #tpu.memory_space<vmem>>
    %dma_start3A_158 = arith.constant 0 : i32
    %dma_start3A_159 = tpu.memref_slice %arg3[%dma_start3A_158, %multiple_of3A_151] : memref<32x1000000xf32, #tpu.memory_space<hbm>> -> memref<32x128xf32, #tpu.memory_space<hbm>>
    %dma_start3A_160 = arith.constant 0 : i32
    %dma_start3A_161 = arith.constant 0 : i32
    %dma_start3A_162 = tpu.memref_slice %arg6[%dma_start3A_152, %dma_start3A_153, %dma_start3A_160, %dma_start3A_161] : memref<3x8x32x128xf32, #tpu.memory_space<vmem>> -> memref<1x1x32x128xf32, #tpu.memory_space<vmem>>
    %dma_start3A_163 = tpu.memref_squeeze %dma_start3A_162 : memref<1x1x32x128xf32, #tpu.memory_space<vmem>> -> memref<32x128xf32, #tpu.memory_space<vmem>>
    %dma_start3A_164 = arith.constant 0 : i32
    %dma_start3A_165 = tpu.memref_slice %arg3[%dma_start3A_164, %multiple_of3A_151] : memref<32x1000000xf32, #tpu.memory_space<hbm>> -> memref<32x128xf32, #tpu.memory_space<hbm>>
    tpu.enqueue_dma source(%dma_start3A_165 : memref<32x128xf32, #tpu.memory_space<hbm>>) target(%dma_start3A_163 : memref<32x128xf32, #tpu.memory_space<vmem>>) target_semaphore(%arg8 : memref<!tpu.dma_semaphore, #tpu.memory_space<semaphore_mem>>)
    %slice3A_166 = vector.extract_strided_slice %get3A_3 {offsets = [4], sizes = [1], strides = [1]} : vector<16xi32> to vector<1xi32>
    %squeeze3A_167 = vector.extract %slice3A_166[0] : i32 from vector<1xi32>
    %jit3A_168 = arith.constant 128 : i32
    %div3A_169 = arith.divsi %squeeze3A_167, %jit3A_168 : i32
    %sign3A_170 = arith.constant 0 : i32
    %sign3A_171 = arith.cmpi sgt, %squeeze3A_167, %sign3A_170 : i32
    %sign3A_172 = arith.extui %sign3A_171 : i1 to i32
    %sign3A_173 = arith.constant 0 : i32
    %sign3A_174 = arith.cmpi slt, %squeeze3A_167, %sign3A_173 : i32
    %sign3A_175 = arith.extui %sign3A_174 : i1 to i32
    %sign3A_176 = arith.subi %sign3A_172, %sign3A_175 : i32
    %sign3A_177 = arith.constant 0 : i32
    %sign3A_178 = arith.cmpi sgt, %jit3A_168, %sign3A_177 : i32
    %sign3A_179 = arith.extui %sign3A_178 : i1 to i32
    %sign3A_180 = arith.constant 0 : i32
    %sign3A_181 = arith.cmpi slt, %jit3A_168, %sign3A_180 : i32
    %sign3A_182 = arith.extui %sign3A_181 : i1 to i32
    %sign3A_183 = arith.subi %sign3A_179, %sign3A_182 : i32
    %ne3A_184 = arith.cmpi ne, %sign3A_176, %sign3A_183 : i32
    %rem3A_185 = arith.remsi %squeeze3A_167, %jit3A_168 : i32
    %ne3A_186 = arith.constant 0 : i32
    %ne3A_187 = arith.cmpi ne, %rem3A_185, %ne3A_186 : i32
    %and3A_188 = arith.andi %ne3A_184, %ne3A_187 : i1
    %sub3A_189 = arith.constant 1 : i32
    %sub3A_190 = arith.subi %div3A_169, %sub3A_189 : i32
    %select_n3A_191 = arith.select %and3A_188, %sub3A_190, %div3A_169 : i32
    %mul3A_192 = arith.constant 128 : i32
    %mul3A_193 = arith.muli %select_n3A_191, %mul3A_192 : i32
    %multiple_of3A_194 = tpu.assume_multiple %mul3A_193, 128 : i32
    %dma_start3A_195 = arith.constant 0 : i32
    %dma_start3A_196 = arith.constant 4 : i32
    %dma_start3A_197 = arith.constant 0 : i32
    %dma_start3A_198 = arith.constant 0 : i32
    %dma_start3A_199 = tpu.memref_slice %arg6[%dma_start3A_195, %dma_start3A_196, %dma_start3A_197, %dma_start3A_198] : memref<3x8x32x128xf32, #tpu.memory_space<vmem>> -> memref<1x1x32x128xf32, #tpu.memory_space<vmem>>
    %dma_start3A_200 = tpu.memref_squeeze %dma_start3A_199 : memref<1x1x32x128xf32, #tpu.memory_space<vmem>> -> memref<32x128xf32, #tpu.memory_space<vmem>>
    %dma_start3A_201 = arith.constant 0 : i32
    %dma_start3A_202 = tpu.memref_slice %arg3[%dma_start3A_201, %multiple_of3A_194] : memref<32x1000000xf32, #tpu.memory_space<hbm>> -> memref<32x128xf32, #tpu.memory_space<hbm>>
    %dma_start3A_203 = arith.constant 0 : i32
    %dma_start3A_204 = arith.constant 0 : i32
    %dma_start3A_205 = tpu.memref_slice %arg6[%dma_start3A_195, %dma_start3A_196, %dma_start3A_203, %dma_start3A_204] : memref<3x8x32x128xf32, #tpu.memory_space<vmem>> -> memref<1x1x32x128xf32, #tpu.memory_space<vmem>>
    %dma_start3A_206 = tpu.memref_squeeze %dma_start3A_205 : memref<1x1x32x128xf32, #tpu.memory_space<vmem>> -> memref<32x128xf32, #tpu.memory_space<vmem>>
    %dma_start3A_207 = arith.constant 0 : i32
    %dma_start3A_208 = tpu.memref_slice %arg3[%dma_start3A_207, %multiple_of3A_194] : memref<32x1000000xf32, #tpu.memory_space<hbm>> -> memref<32x128xf32, #tpu.memory_space<hbm>>
    tpu.enqueue_dma source(%dma_start3A_208 : memref<32x128xf32, #tpu.memory_space<hbm>>) target(%dma_start3A_206 : memref<32x128xf32, #tpu.memory_space<vmem>>) target_semaphore(%arg8 : memref<!tpu.dma_semaphore, #tpu.memory_space<semaphore_mem>>)
    %slice3A_209 = vector.extract_strided_slice %get3A_3 {offsets = [5], sizes = [1], strides = [1]} : vector<16xi32> to vector<1xi32>
    %squeeze3A_210 = vector.extract %slice3A_209[0] : i32 from vector<1xi32>
    %jit3A_211 = arith.constant 128 : i32
    %div3A_212 = arith.divsi %squeeze3A_210, %jit3A_211 : i32
    %sign3A_213 = arith.constant 0 : i32
    %sign3A_214 = arith.cmpi sgt, %squeeze3A_210, %sign3A_213 : i32
    %sign3A_215 = arith.extui %sign3A_214 : i1 to i32
    %sign3A_216 = arith.constant 0 : i32
    %sign3A_217 = arith.cmpi slt, %squeeze3A_210, %sign3A_216 : i32
    %sign3A_218 = arith.extui %sign3A_217 : i1 to i32
    %sign3A_219 = arith.subi %sign3A_215, %sign3A_218 : i32
    %sign3A_220 = arith.constant 0 : i32
    %sign3A_221 = arith.cmpi sgt, %jit3A_211, %sign3A_220 : i32
    %sign3A_222 = arith.extui %sign3A_221 : i1 to i32
    %sign3A_223 = arith.constant 0 : i32
    %sign3A_224 = arith.cmpi slt, %jit3A_211, %sign3A_223 : i32
    %sign3A_225 = arith.extui %sign3A_224 : i1 to i32
    %sign3A_226 = arith.subi %sign3A_222, %sign3A_225 : i32
    %ne3A_227 = arith.cmpi ne, %sign3A_219, %sign3A_226 : i32
    %rem3A_228 = arith.remsi %squeeze3A_210, %jit3A_211 : i32
    %ne3A_229 = arith.constant 0 : i32
    %ne3A_230 = arith.cmpi ne, %rem3A_228, %ne3A_229 : i32
    %and3A_231 = arith.andi %ne3A_227, %ne3A_230 : i1
    %sub3A_232 = arith.constant 1 : i32
    %sub3A_233 = arith.subi %div3A_212, %sub3A_232 : i32
    %select_n3A_234 = arith.select %and3A_231, %sub3A_233, %div3A_212 : i32
    %mul3A_235 = arith.constant 128 : i32
    %mul3A_236 = arith.muli %select_n3A_234, %mul3A_235 : i32
    %multiple_of3A_237 = tpu.assume_multiple %mul3A_236, 128 : i32
    %dma_start3A_238 = arith.constant 0 : i32
    %dma_start3A_239 = arith.constant 5 : i32
    %dma_start3A_240 = arith.constant 0 : i32
    %dma_start3A_241 = arith.constant 0 : i32
    %dma_start3A_242 = tpu.memref_slice %arg6[%dma_start3A_238, %dma_start3A_239, %dma_start3A_240, %dma_start3A_241] : memref<3x8x32x128xf32, #tpu.memory_space<vmem>> -> memref<1x1x32x128xf32, #tpu.memory_space<vmem>>
    %dma_start3A_243 = tpu.memref_squeeze %dma_start3A_242 : memref<1x1x32x128xf32, #tpu.memory_space<vmem>> -> memref<32x128xf32, #tpu.memory_space<vmem>>
    %dma_start3A_244 = arith.constant 0 : i32
    %dma_start3A_245 = tpu.memref_slice %arg3[%dma_start3A_244, %multiple_of3A_237] : memref<32x1000000xf32, #tpu.memory_space<hbm>> -> memref<32x128xf32, #tpu.memory_space<hbm>>
    %dma_start3A_246 = arith.constant 0 : i32
    %dma_start3A_247 = arith.constant 0 : i32
    %dma_start3A_248 = tpu.memref_slice %arg6[%dma_start3A_238, %dma_start3A_239, %dma_start3A_246, %dma_start3A_247] : memref<3x8x32x128xf32, #tpu.memory_space<vmem>> -> memref<1x1x32x128xf32, #tpu.memory_space<vmem>>
    %dma_start3A_249 = tpu.memref_squeeze %dma_start3A_248 : memref<1x1x32x128xf32, #tpu.memory_space<vmem>> -> memref<32x128xf32, #tpu.memory_space<vmem>>
    %dma_start3A_250 = arith.constant 0 : i32
    %dma_start3A_251 = tpu.memref_slice %arg3[%dma_start3A_250, %multiple_of3A_237] : memref<32x1000000xf32, #tpu.memory_space<hbm>> -> memref<32x128xf32, #tpu.memory_space<hbm>>
    tpu.enqueue_dma source(%dma_start3A_251 : memref<32x128xf32, #tpu.memory_space<hbm>>) target(%dma_start3A_249 : memref<32x128xf32, #tpu.memory_space<vmem>>) target_semaphore(%arg8 : memref<!tpu.dma_semaphore, #tpu.memory_space<semaphore_mem>>)
    %slice3A_252 = vector.extract_strided_slice %get3A_3 {offsets = [6], sizes = [1], strides = [1]} : vector<16xi32> to vector<1xi32>
    %squeeze3A_253 = vector.extract %slice3A_252[0] : i32 from vector<1xi32>
    %jit3A_254 = arith.constant 128 : i32
    %div3A_255 = arith.divsi %squeeze3A_253, %jit3A_254 : i32
    %sign3A_256 = arith.constant 0 : i32
    %sign3A_257 = arith.cmpi sgt, %squeeze3A_253, %sign3A_256 : i32
    %sign3A_258 = arith.extui %sign3A_257 : i1 to i32
    %sign3A_259 = arith.constant 0 : i32
    %sign3A_260 = arith.cmpi slt, %squeeze3A_253, %sign3A_259 : i32
    %sign3A_261 = arith.extui %sign3A_260 : i1 to i32
    %sign3A_262 = arith.subi %sign3A_258, %sign3A_261 : i32
    %sign3A_263 = arith.constant 0 : i32
    %sign3A_264 = arith.cmpi sgt, %jit3A_254, %sign3A_263 : i32
    %sign3A_265 = arith.extui %sign3A_264 : i1 to i32
    %sign3A_266 = arith.constant 0 : i32
    %sign3A_267 = arith.cmpi slt, %jit3A_254, %sign3A_266 : i32
    %sign3A_268 = arith.extui %sign3A_267 : i1 to i32
    %sign3A_269 = arith.subi %sign3A_265, %sign3A_268 : i32
    %ne3A_270 = arith.cmpi ne, %sign3A_262, %sign3A_269 : i32
    %rem3A_271 = arith.remsi %squeeze3A_253, %jit3A_254 : i32
    %ne3A_272 = arith.constant 0 : i32
    %ne3A_273 = arith.cmpi ne, %rem3A_271, %ne3A_272 : i32
    %and3A_274 = arith.andi %ne3A_270, %ne3A_273 : i1
    %sub3A_275 = arith.constant 1 : i32
    %sub3A_276 = arith.subi %div3A_255, %sub3A_275 : i32
    %select_n3A_277 = arith.select %and3A_274, %sub3A_276, %div3A_255 : i32
    %mul3A_278 = arith.constant 128 : i32
    %mul3A_279 = arith.muli %select_n3A_277, %mul3A_278 : i32
    %multiple_of3A_280 = tpu.assume_multiple %mul3A_279, 128 : i32
    %dma_start3A_281 = arith.constant 0 : i32
    %dma_start3A_282 = arith.constant 6 : i32
    %dma_start3A_283 = arith.constant 0 : i32
    %dma_start3A_284 = arith.constant 0 : i32
    %dma_start3A_285 = tpu.memref_slice %arg6[%dma_start3A_281, %dma_start3A_282, %dma_start3A_283, %dma_start3A_284] : memref<3x8x32x128xf32, #tpu.memory_space<vmem>> -> memref<1x1x32x128xf32, #tpu.memory_space<vmem>>
    %dma_start3A_286 = tpu.memref_squeeze %dma_start3A_285 : memref<1x1x32x128xf32, #tpu.memory_space<vmem>> -> memref<32x128xf32, #tpu.memory_space<vmem>>
    %dma_start3A_287 = arith.constant 0 : i32
    %dma_start3A_288 = tpu.memref_slice %arg3[%dma_start3A_287, %multiple_of3A_280] : memref<32x1000000xf32, #tpu.memory_space<hbm>> -> memref<32x128xf32, #tpu.memory_space<hbm>>
    %dma_start3A_289 = arith.constant 0 : i32
    %dma_start3A_290 = arith.constant 0 : i32
    %dma_start3A_291 = tpu.memref_slice %arg6[%dma_start3A_281, %dma_start3A_282, %dma_start3A_289, %dma_start3A_290] : memref<3x8x32x128xf32, #tpu.memory_space<vmem>> -> memref<1x1x32x128xf32, #tpu.memory_space<vmem>>
    %dma_start3A_292 = tpu.memref_squeeze %dma_start3A_291 : memref<1x1x32x128xf32, #tpu.memory_space<vmem>> -> memref<32x128xf32, #tpu.memory_space<vmem>>
    %dma_start3A_293 = arith.constant 0 : i32
    %dma_start3A_294 = tpu.memref_slice %arg3[%dma_start3A_293, %multiple_of3A_280] : memref<32x1000000xf32, #tpu.memory_space<hbm>> -> memref<32x128xf32, #tpu.memory_space<hbm>>
    tpu.enqueue_dma source(%dma_start3A_294 : memref<32x128xf32, #tpu.memory_space<hbm>>) target(%dma_start3A_292 : memref<32x128xf32, #tpu.memory_space<vmem>>) target_semaphore(%arg8 : memref<!tpu.dma_semaphore, #tpu.memory_space<semaphore_mem>>)
    %slice3A_295 = vector.extract_strided_slice %get3A_3 {offsets = [7], sizes = [1], strides = [1]} : vector<16xi32> to vector<1xi32>
    %squeeze3A_296 = vector.extract %slice3A_295[0] : i32 from vector<1xi32>
    %jit3A_297 = arith.constant 128 : i32
    %div3A_298 = arith.divsi %squeeze3A_296, %jit3A_297 : i32
    %sign3A_299 = arith.constant 0 : i32
    %sign3A_300 = arith.cmpi sgt, %squeeze3A_296, %sign3A_299 : i32
    %sign3A_301 = arith.extui %sign3A_300 : i1 to i32
    %sign3A_302 = arith.constant 0 : i32
    %sign3A_303 = arith.cmpi slt, %squeeze3A_296, %sign3A_302 : i32
    %sign3A_304 = arith.extui %sign3A_303 : i1 to i32
    %sign3A_305 = arith.subi %sign3A_301, %sign3A_304 : i32
    %sign3A_306 = arith.constant 0 : i32
    %sign3A_307 = arith.cmpi sgt, %jit3A_297, %sign3A_306 : i32
    %sign3A_308 = arith.extui %sign3A_307 : i1 to i32
    %sign3A_309 = arith.constant 0 : i32
    %sign3A_310 = arith.cmpi slt, %jit3A_297, %sign3A_309 : i32
    %sign3A_311 = arith.extui %sign3A_310 : i1 to i32
    %sign3A_312 = arith.subi %sign3A_308, %sign3A_311 : i32
    %ne3A_313 = arith.cmpi ne, %sign3A_305, %sign3A_312 : i32
    %rem3A_314 = arith.remsi %squeeze3A_296, %jit3A_297 : i32
    %ne3A_315 = arith.constant 0 : i32
    %ne3A_316 = arith.cmpi ne, %rem3A_314, %ne3A_315 : i32
    %and3A_317 = arith.andi %ne3A_313, %ne3A_316 : i1
    %sub3A_318 = arith.constant 1 : i32
    %sub3A_319 = arith.subi %div3A_298, %sub3A_318 : i32
    %select_n3A_320 = arith.select %and3A_317, %sub3A_319, %div3A_298 : i32
    %mul3A_321 = arith.constant 128 : i32
    %mul3A_322 = arith.muli %select_n3A_320, %mul3A_321 : i32
    %multiple_of3A_323 = tpu.assume_multiple %mul3A_322, 128 : i32
    %dma_start3A_324 = arith.constant 0 : i32
    %dma_start3A_325 = arith.constant 7 : i32
    %dma_start3A_326 = arith.constant 0 : i32
    %dma_start3A_327 = arith.constant 0 : i32
    %dma_start3A_328 = tpu.memref_slice %arg6[%dma_start3A_324, %dma_start3A_325, %dma_start3A_326, %dma_start3A_327] : memref<3x8x32x128xf32, #tpu.memory_space<vmem>> -> memref<1x1x32x128xf32, #tpu.memory_space<vmem>>
    %dma_start3A_329 = tpu.memref_squeeze %dma_start3A_328 : memref<1x1x32x128xf32, #tpu.memory_space<vmem>> -> memref<32x128xf32, #tpu.memory_space<vmem>>
    %dma_start3A_330 = arith.constant 0 : i32
    %dma_start3A_331 = tpu.memref_slice %arg3[%dma_start3A_330, %multiple_of3A_323] : memref<32x1000000xf32, #tpu.memory_space<hbm>> -> memref<32x128xf32, #tpu.memory_space<hbm>>
    %dma_start3A_332 = arith.constant 0 : i32
    %dma_start3A_333 = arith.constant 0 : i32
    %dma_start3A_334 = tpu.memref_slice %arg6[%dma_start3A_324, %dma_start3A_325, %dma_start3A_332, %dma_start3A_333] : memref<3x8x32x128xf32, #tpu.memory_space<vmem>> -> memref<1x1x32x128xf32, #tpu.memory_space<vmem>>
    %dma_start3A_335 = tpu.memref_squeeze %dma_start3A_334 : memref<1x1x32x128xf32, #tpu.memory_space<vmem>> -> memref<32x128xf32, #tpu.memory_space<vmem>>
    %dma_start3A_336 = arith.constant 0 : i32
    %dma_start3A_337 = tpu.memref_slice %arg3[%dma_start3A_336, %multiple_of3A_323] : memref<32x1000000xf32, #tpu.memory_space<hbm>> -> memref<32x128xf32, #tpu.memory_space<hbm>>
    tpu.enqueue_dma source(%dma_start3A_337 : memref<32x128xf32, #tpu.memory_space<hbm>>) target(%dma_start3A_335 : memref<32x128xf32, #tpu.memory_space<vmem>>) target_semaphore(%arg8 : memref<!tpu.dma_semaphore, #tpu.memory_space<semaphore_mem>>)
    %slice3A_338 = vector.extract_strided_slice %get3A_5 {offsets = [0], sizes = [1], strides = [1]} : vector<16xi32> to vector<1xi32>
    %squeeze3A_339 = vector.extract %slice3A_338[0] : i32 from vector<1xi32>
    %jit3A_340 = arith.constant 128 : i32
    %div3A_341 = arith.divsi %squeeze3A_339, %jit3A_340 : i32
    %sign3A_342 = arith.constant 0 : i32
    %sign3A_343 = arith.cmpi sgt, %squeeze3A_339, %sign3A_342 : i32
    %sign3A_344 = arith.extui %sign3A_343 : i1 to i32
    %sign3A_345 = arith.constant 0 : i32
    %sign3A_346 = arith.cmpi slt, %squeeze3A_339, %sign3A_345 : i32
    %sign3A_347 = arith.extui %sign3A_346 : i1 to i32
    %sign3A_348 = arith.subi %sign3A_344, %sign3A_347 : i32
    %sign3A_349 = arith.constant 0 : i32
    %sign3A_350 = arith.cmpi sgt, %jit3A_340, %sign3A_349 : i32
    %sign3A_351 = arith.extui %sign3A_350 : i1 to i32
    %sign3A_352 = arith.constant 0 : i32
    %sign3A_353 = arith.cmpi slt, %jit3A_340, %sign3A_352 : i32
    %sign3A_354 = arith.extui %sign3A_353 : i1 to i32
    %sign3A_355 = arith.subi %sign3A_351, %sign3A_354 : i32
    %ne3A_356 = arith.cmpi ne, %sign3A_348, %sign3A_355 : i32
    %rem3A_357 = arith.remsi %squeeze3A_339, %jit3A_340 : i32
    %ne3A_358 = arith.constant 0 : i32
    %ne3A_359 = arith.cmpi ne, %rem3A_357, %ne3A_358 : i32
    %and3A_360 = arith.andi %ne3A_356, %ne3A_359 : i1
    %sub3A_361 = arith.constant 1 : i32
    %sub3A_362 = arith.subi %div3A_341, %sub3A_361 : i32
    %select_n3A_363 = arith.select %and3A_360, %sub3A_362, %div3A_341 : i32
    %mul3A_364 = arith.constant 128 : i32
    %mul3A_365 = arith.muli %select_n3A_363, %mul3A_364 : i32
    %multiple_of3A_366 = tpu.assume_multiple %mul3A_365, 128 : i32
    %dma_start3A_367 = arith.constant 1 : i32
    %dma_start3A_368 = arith.constant 0 : i32
    %dma_start3A_369 = arith.constant 0 : i32
    %dma_start3A_370 = arith.constant 0 : i32
    %dma_start3A_371 = tpu.memref_slice %arg6[%dma_start3A_367, %dma_start3A_368, %dma_start3A_369, %dma_start3A_370] : memref<3x8x32x128xf32, #tpu.memory_space<vmem>> -> memref<1x1x32x128xf32, #tpu.memory_space<vmem>>
    %dma_start3A_372 = tpu.memref_squeeze %dma_start3A_371 : memref<1x1x32x128xf32, #tpu.memory_space<vmem>> -> memref<32x128xf32, #tpu.memory_space<vmem>>
    %dma_start3A_373 = arith.constant 0 : i32
    %dma_start3A_374 = tpu.memref_slice %arg3[%dma_start3A_373, %multiple_of3A_366] : memref<32x1000000xf32, #tpu.memory_space<hbm>> -> memref<32x128xf32, #tpu.memory_space<hbm>>
    %dma_start3A_375 = arith.constant 0 : i32
    %dma_start3A_376 = arith.constant 0 : i32
    %dma_start3A_377 = tpu.memref_slice %arg6[%dma_start3A_367, %dma_start3A_368, %dma_start3A_375, %dma_start3A_376] : memref<3x8x32x128xf32, #tpu.memory_space<vmem>> -> memref<1x1x32x128xf32, #tpu.memory_space<vmem>>
    %dma_start3A_378 = tpu.memref_squeeze %dma_start3A_377 : memref<1x1x32x128xf32, #tpu.memory_space<vmem>> -> memref<32x128xf32, #tpu.memory_space<vmem>>
    %dma_start3A_379 = arith.constant 0 : i32
    %dma_start3A_380 = tpu.memref_slice %arg3[%dma_start3A_379, %multiple_of3A_366] : memref<32x1000000xf32, #tpu.memory_space<hbm>> -> memref<32x128xf32, #tpu.memory_space<hbm>>
    tpu.enqueue_dma source(%dma_start3A_380 : memref<32x128xf32, #tpu.memory_space<hbm>>) target(%dma_start3A_378 : memref<32x128xf32, #tpu.memory_space<vmem>>) target_semaphore(%arg8 : memref<!tpu.dma_semaphore, #tpu.memory_space<semaphore_mem>>)
    %slice3A_381 = vector.extract_strided_slice %get3A_5 {offsets = [1], sizes = [1], strides = [1]} : vector<16xi32> to vector<1xi32>
    %squeeze3A_382 = vector.extract %slice3A_381[0] : i32 from vector<1xi32>
    %jit3A_383 = arith.constant 128 : i32
    %div3A_384 = arith.divsi %squeeze3A_382, %jit3A_383 : i32
    %sign3A_385 = arith.constant 0 : i32
    %sign3A_386 = arith.cmpi sgt, %squeeze3A_382, %sign3A_385 : i32
    %sign3A_387 = arith.extui %sign3A_386 : i1 to i32
    %sign3A_388 = arith.constant 0 : i32
    %sign3A_389 = arith.cmpi slt, %squeeze3A_382, %sign3A_388 : i32
    %sign3A_390 = arith.extui %sign3A_389 : i1 to i32
    %sign3A_391 = arith.subi %sign3A_387, %sign3A_390 : i32
    %sign3A_392 = arith.constant 0 : i32
    %sign3A_393 = arith.cmpi sgt, %jit3A_383, %sign3A_392 : i32
    %sign3A_394 = arith.extui %sign3A_393 : i1 to i32
    %sign3A_395 = arith.constant 0 : i32
    %sign3A_396 = arith.cmpi slt, %jit3A_383, %sign3A_395 : i32
    %sign3A_397 = arith.extui %sign3A_396 : i1 to i32
    %sign3A_398 = arith.subi %sign3A_394, %sign3A_397 : i32
    %ne3A_399 = arith.cmpi ne, %sign3A_391, %sign3A_398 : i32
    %rem3A_400 = arith.remsi %squeeze3A_382, %jit3A_383 : i32
    %ne3A_401 = arith.constant 0 : i32
    %ne3A_402 = arith.cmpi ne, %rem3A_400, %ne3A_401 : i32
    %and3A_403 = arith.andi %ne3A_399, %ne3A_402 : i1
    %sub3A_404 = arith.constant 1 : i32
    %sub3A_405 = arith.subi %div3A_384, %sub3A_404 : i32
    %select_n3A_406 = arith.select %and3A_403, %sub3A_405, %div3A_384 : i32
    %mul3A_407 = arith.constant 128 : i32
    %mul3A_408 = arith.muli %select_n3A_406, %mul3A_407 : i32
    %multiple_of3A_409 = tpu.assume_multiple %mul3A_408, 128 : i32
    %dma_start3A_410 = arith.constant 1 : i32
    %dma_start3A_411 = arith.constant 1 : i32
    %dma_start3A_412 = arith.constant 0 : i32
    %dma_start3A_413 = arith.constant 0 : i32
    %dma_start3A_414 = tpu.memref_slice %arg6[%dma_start3A_410, %dma_start3A_411, %dma_start3A_412, %dma_start3A_413] : memref<3x8x32x128xf32, #tpu.memory_space<vmem>> -> memref<1x1x32x128xf32, #tpu.memory_space<vmem>>
    %dma_start3A_415 = tpu.memref_squeeze %dma_start3A_414 : memref<1x1x32x128xf32, #tpu.memory_space<vmem>> -> memref<32x128xf32, #tpu.memory_space<vmem>>
    %dma_start3A_416 = arith.constant 0 : i32
    %dma_start3A_417 = tpu.memref_slice %arg3[%dma_start3A_416, %multiple_of3A_409] : memref<32x1000000xf32, #tpu.memory_space<hbm>> -> memref<32x128xf32, #tpu.memory_space<hbm>>
    %dma_start3A_418 = arith.constant 0 : i32
    %dma_start3A_419 = arith.constant 0 : i32
    %dma_start3A_420 = tpu.memref_slice %arg6[%dma_start3A_410, %dma_start3A_411, %dma_start3A_418, %dma_start3A_419] : memref<3x8x32x128xf32, #tpu.memory_space<vmem>> -> memref<1x1x32x128xf32, #tpu.memory_space<vmem>>
    %dma_start3A_421 = tpu.memref_squeeze %dma_start3A_420 : memref<1x1x32x128xf32, #tpu.memory_space<vmem>> -> memref<32x128xf32, #tpu.memory_space<vmem>>
    %dma_start3A_422 = arith.constant 0 : i32
    %dma_start3A_423 = tpu.memref_slice %arg3[%dma_start3A_422, %multiple_of3A_409] : memref<32x1000000xf32, #tpu.memory_space<hbm>> -> memref<32x128xf32, #tpu.memory_space<hbm>>
    tpu.enqueue_dma source(%dma_start3A_423 : memref<32x128xf32, #tpu.memory_space<hbm>>) target(%dma_start3A_421 : memref<32x128xf32, #tpu.memory_space<vmem>>) target_semaphore(%arg8 : memref<!tpu.dma_semaphore, #tpu.memory_space<semaphore_mem>>)
    %slice3A_424 = vector.extract_strided_slice %get3A_5 {offsets = [2], sizes = [1], strides = [1]} : vector<16xi32> to vector<1xi32>
    %squeeze3A_425 = vector.extract %slice3A_424[0] : i32 from vector<1xi32>
    %jit3A_426 = arith.constant 128 : i32
    %div3A_427 = arith.divsi %squeeze3A_425, %jit3A_426 : i32
    %sign3A_428 = arith.constant 0 : i32
    %sign3A_429 = arith.cmpi sgt, %squeeze3A_425, %sign3A_428 : i32
    %sign3A_430 = arith.extui %sign3A_429 : i1 to i32
    %sign3A_431 = arith.constant 0 : i32
    %sign3A_432 = arith.cmpi slt, %squeeze3A_425, %sign3A_431 : i32
    %sign3A_433 = arith.extui %sign3A_432 : i1 to i32
    %sign3A_434 = arith.subi %sign3A_430, %sign3A_433 : i32
    %sign3A_435 = arith.constant 0 : i32
    %sign3A_436 = arith.cmpi sgt, %jit3A_426, %sign3A_435 : i32
    %sign3A_437 = arith.extui %sign3A_436 : i1 to i32
    %sign3A_438 = arith.constant 0 : i32
    %sign3A_439 = arith.cmpi slt, %jit3A_426, %sign3A_438 : i32
    %sign3A_440 = arith.extui %sign3A_439 : i1 to i32
    %sign3A_441 = arith.subi %sign3A_437, %sign3A_440 : i32
    %ne3A_442 = arith.cmpi ne, %sign3A_434, %sign3A_441 : i32
    %rem3A_443 = arith.remsi %squeeze3A_425, %jit3A_426 : i32
    %ne3A_444 = arith.constant 0 : i32
    %ne3A_445 = arith.cmpi ne, %rem3A_443, %ne3A_444 : i32
    %and3A_446 = arith.andi %ne3A_442, %ne3A_445 : i1
    %sub3A_447 = arith.constant 1 : i32
    %sub3A_448 = arith.subi %div3A_427, %sub3A_447 : i32
    %select_n3A_449 = arith.select %and3A_446, %sub3A_448, %div3A_427 : i32
    %mul3A_450 = arith.constant 128 : i32
    %mul3A_451 = arith.muli %select_n3A_449, %mul3A_450 : i32
    %multiple_of3A_452 = tpu.assume_multiple %mul3A_451, 128 : i32
    %dma_start3A_453 = arith.constant 1 : i32
    %dma_start3A_454 = arith.constant 2 : i32
    %dma_start3A_455 = arith.constant 0 : i32
    %dma_start3A_456 = arith.constant 0 : i32
    %dma_start3A_457 = tpu.memref_slice %arg6[%dma_start3A_453, %dma_start3A_454, %dma_start3A_455, %dma_start3A_456] : memref<3x8x32x128xf32, #tpu.memory_space<vmem>> -> memref<1x1x32x128xf32, #tpu.memory_space<vmem>>
    %dma_start3A_458 = tpu.memref_squeeze %dma_start3A_457 : memref<1x1x32x128xf32, #tpu.memory_space<vmem>> -> memref<32x128xf32, #tpu.memory_space<vmem>>
    %dma_start3A_459 = arith.constant 0 : i32
    %dma_start3A_460 = tpu.memref_slice %arg3[%dma_start3A_459, %multiple_of3A_452] : memref<32x1000000xf32, #tpu.memory_space<hbm>> -> memref<32x128xf32, #tpu.memory_space<hbm>>
    %dma_start3A_461 = arith.constant 0 : i32
    %dma_start3A_462 = arith.constant 0 : i32
    %dma_start3A_463 = tpu.memref_slice %arg6[%dma_start3A_453, %dma_start3A_454, %dma_start3A_461, %dma_start3A_462] : memref<3x8x32x128xf32, #tpu.memory_space<vmem>> -> memref<1x1x32x128xf32, #tpu.memory_space<vmem>>
    %dma_start3A_464 = tpu.memref_squeeze %dma_start3A_463 : memref<1x1x32x128xf32, #tpu.memory_space<vmem>> -> memref<32x128xf32, #tpu.memory_space<vmem>>
    %dma_start3A_465 = arith.constant 0 : i32
    %dma_start3A_466 = tpu.memref_slice %arg3[%dma_start3A_465, %multiple_of3A_452] : memref<32x1000000xf32, #tpu.memory_space<hbm>> -> memref<32x128xf32, #tpu.memory_space<hbm>>
    tpu.enqueue_dma source(%dma_start3A_466 : memref<32x128xf32, #tpu.memory_space<hbm>>) target(%dma_start3A_464 : memref<32x128xf32, #tpu.memory_space<vmem>>) target_semaphore(%arg8 : memref<!tpu.dma_semaphore, #tpu.memory_space<semaphore_mem>>)
    %slice3A_467 = vector.extract_strided_slice %get3A_5 {offsets = [3], sizes = [1], strides = [1]} : vector<16xi32> to vector<1xi32>
    %squeeze3A_468 = vector.extract %slice3A_467[0] : i32 from vector<1xi32>
    %jit3A_469 = arith.constant 128 : i32
    %div3A_470 = arith.divsi %squeeze3A_468, %jit3A_469 : i32
    %sign3A_471 = arith.constant 0 : i32
    %sign3A_472 = arith.cmpi sgt, %squeeze3A_468, %sign3A_471 : i32
    %sign3A_473 = arith.extui %sign3A_472 : i1 to i32
    %sign3A_474 = arith.constant 0 : i32
    %sign3A_475 = arith.cmpi slt, %squeeze3A_468, %sign3A_474 : i32
    %sign3A_476 = arith.extui %sign3A_475 : i1 to i32
    %sign3A_477 = arith.subi %sign3A_473, %sign3A_476 : i32
    %sign3A_478 = arith.constant 0 : i32
    %sign3A_479 = arith.cmpi sgt, %jit3A_469, %sign3A_478 : i32
    %sign3A_480 = arith.extui %sign3A_479 : i1 to i32
    %sign3A_481 = arith.constant 0 : i32
    %sign3A_482 = arith.cmpi slt, %jit3A_469, %sign3A_481 : i32
    %sign3A_483 = arith.extui %sign3A_482 : i1 to i32
    %sign3A_484 = arith.subi %sign3A_480, %sign3A_483 : i32
    %ne3A_485 = arith.cmpi ne, %sign3A_477, %sign3A_484 : i32
    %rem3A_486 = arith.remsi %squeeze3A_468, %jit3A_469 : i32
    %ne3A_487 = arith.constant 0 : i32
    %ne3A_488 = arith.cmpi ne, %rem3A_486, %ne3A_487 : i32
    %and3A_489 = arith.andi %ne3A_485, %ne3A_488 : i1
    %sub3A_490 = arith.constant 1 : i32
    %sub3A_491 = arith.subi %div3A_470, %sub3A_490 : i32
    %select_n3A_492 = arith.select %and3A_489, %sub3A_491, %div3A_470 : i32
    %mul3A_493 = arith.constant 128 : i32
    %mul3A_494 = arith.muli %select_n3A_492, %mul3A_493 : i32
    %multiple_of3A_495 = tpu.assume_multiple %mul3A_494, 128 : i32
    %dma_start3A_496 = arith.constant 1 : i32
    %dma_start3A_497 = arith.constant 3 : i32
    %dma_start3A_498 = arith.constant 0 : i32
    %dma_start3A_499 = arith.constant 0 : i32
    %dma_start3A_500 = tpu.memref_slice %arg6[%dma_start3A_496, %dma_start3A_497, %dma_start3A_498, %dma_start3A_499] : memref<3x8x32x128xf32, #tpu.memory_space<vmem>> -> memref<1x1x32x128xf32, #tpu.memory_space<vmem>>
    %dma_start3A_501 = tpu.memref_squeeze %dma_start3A_500 : memref<1x1x32x128xf32, #tpu.memory_space<vmem>> -> memref<32x128xf32, #tpu.memory_space<vmem>>
    %dma_start3A_502 = arith.constant 0 : i32
    %dma_start3A_503 = tpu.memref_slice %arg3[%dma_start3A_502, %multiple_of3A_495] : memref<32x1000000xf32, #tpu.memory_space<hbm>> -> memref<32x128xf32, #tpu.memory_space<hbm>>
    %dma_start3A_504 = arith.constant 0 : i32
    %dma_start3A_505 = arith.constant 0 : i32
    %dma_start3A_506 = tpu.memref_slice %arg6[%dma_start3A_496, %dma_start3A_497, %dma_start3A_504, %dma_start3A_505] : memref<3x8x32x128xf32, #tpu.memory_space<vmem>> -> memref<1x1x32x128xf32, #tpu.memory_space<vmem>>
    %dma_start3A_507 = tpu.memref_squeeze %dma_start3A_506 : memref<1x1x32x128xf32, #tpu.memory_space<vmem>> -> memref<32x128xf32, #tpu.memory_space<vmem>>
    %dma_start3A_508 = arith.constant 0 : i32
    %dma_start3A_509 = tpu.memref_slice %arg3[%dma_start3A_508, %multiple_of3A_495] : memref<32x1000000xf32, #tpu.memory_space<hbm>> -> memref<32x128xf32, #tpu.memory_space<hbm>>
    tpu.enqueue_dma source(%dma_start3A_509 : memref<32x128xf32, #tpu.memory_space<hbm>>) target(%dma_start3A_507 : memref<32x128xf32, #tpu.memory_space<vmem>>) target_semaphore(%arg8 : memref<!tpu.dma_semaphore, #tpu.memory_space<semaphore_mem>>)
    %slice3A_510 = vector.extract_strided_slice %get3A_5 {offsets = [4], sizes = [1], strides = [1]} : vector<16xi32> to vector<1xi32>
    %squeeze3A_511 = vector.extract %slice3A_510[0] : i32 from vector<1xi32>
    %jit3A_512 = arith.constant 128 : i32
    %div3A_513 = arith.divsi %squeeze3A_511, %jit3A_512 : i32
    %sign3A_514 = arith.constant 0 : i32
    %sign3A_515 = arith.cmpi sgt, %squeeze3A_511, %sign3A_514 : i32
    %sign3A_516 = arith.extui %sign3A_515 : i1 to i32
    %sign3A_517 = arith.constant 0 : i32
    %sign3A_518 = arith.cmpi slt, %squeeze3A_511, %sign3A_517 : i32
    %sign3A_519 = arith.extui %sign3A_518 : i1 to i32
    %sign3A_520 = arith.subi %sign3A_516, %sign3A_519 : i32
    %sign3A_521 = arith.constant 0 : i32
    %sign3A_522 = arith.cmpi sgt, %jit3A_512, %sign3A_521 : i32
    %sign3A_523 = arith.extui %sign3A_522 : i1 to i32
    %sign3A_524 = arith.constant 0 : i32
    %sign3A_525 = arith.cmpi slt, %jit3A_512, %sign3A_524 : i32
    %sign3A_526 = arith.extui %sign3A_525 : i1 to i32
    %sign3A_527 = arith.subi %sign3A_523, %sign3A_526 : i32
    %ne3A_528 = arith.cmpi ne, %sign3A_520, %sign3A_527 : i32
    %rem3A_529 = arith.remsi %squeeze3A_511, %jit3A_512 : i32
    %ne3A_530 = arith.constant 0 : i32
    %ne3A_531 = arith.cmpi ne, %rem3A_529, %ne3A_530 : i32
    %and3A_532 = arith.andi %ne3A_528, %ne3A_531 : i1
    %sub3A_533 = arith.constant 1 : i32
    %sub3A_534 = arith.subi %div3A_513, %sub3A_533 : i32
    %select_n3A_535 = arith.select %and3A_532, %sub3A_534, %div3A_513 : i32
    %mul3A_536 = arith.constant 128 : i32
    %mul3A_537 = arith.muli %select_n3A_535, %mul3A_536 : i32
    %multiple_of3A_538 = tpu.assume_multiple %mul3A_537, 128 : i32
    %dma_start3A_539 = arith.constant 1 : i32
    %dma_start3A_540 = arith.constant 4 : i32
    %dma_start3A_541 = arith.constant 0 : i32
    %dma_start3A_542 = arith.constant 0 : i32
    %dma_start3A_543 = tpu.memref_slice %arg6[%dma_start3A_539, %dma_start3A_540, %dma_start3A_541, %dma_start3A_542] : memref<3x8x32x128xf32, #tpu.memory_space<vmem>> -> memref<1x1x32x128xf32, #tpu.memory_space<vmem>>
    %dma_start3A_544 = tpu.memref_squeeze %dma_start3A_543 : memref<1x1x32x128xf32, #tpu.memory_space<vmem>> -> memref<32x128xf32, #tpu.memory_space<vmem>>
    %dma_start3A_545 = arith.constant 0 : i32
    %dma_start3A_546 = tpu.memref_slice %arg3[%dma_start3A_545, %multiple_of3A_538] : memref<32x1000000xf32, #tpu.memory_space<hbm>> -> memref<32x128xf32, #tpu.memory_space<hbm>>
    %dma_start3A_547 = arith.constant 0 : i32
    %dma_start3A_548 = arith.constant 0 : i32
    %dma_start3A_549 = tpu.memref_slice %arg6[%dma_start3A_539, %dma_start3A_540, %dma_start3A_547, %dma_start3A_548] : memref<3x8x32x128xf32, #tpu.memory_space<vmem>> -> memref<1x1x32x128xf32, #tpu.memory_space<vmem>>
    %dma_start3A_550 = tpu.memref_squeeze %dma_start3A_549 : memref<1x1x32x128xf32, #tpu.memory_space<vmem>> -> memref<32x128xf32, #tpu.memory_space<vmem>>
    %dma_start3A_551 = arith.constant 0 : i32
    %dma_start3A_552 = tpu.memref_slice %arg3[%dma_start3A_551, %multiple_of3A_538] : memref<32x1000000xf32, #tpu.memory_space<hbm>> -> memref<32x128xf32, #tpu.memory_space<hbm>>
    tpu.enqueue_dma source(%dma_start3A_552 : memref<32x128xf32, #tpu.memory_space<hbm>>) target(%dma_start3A_550 : memref<32x128xf32, #tpu.memory_space<vmem>>) target_semaphore(%arg8 : memref<!tpu.dma_semaphore, #tpu.memory_space<semaphore_mem>>)
    %slice3A_553 = vector.extract_strided_slice %get3A_5 {offsets = [5], sizes = [1], strides = [1]} : vector<16xi32> to vector<1xi32>
    %squeeze3A_554 = vector.extract %slice3A_553[0] : i32 from vector<1xi32>
    %jit3A_555 = arith.constant 128 : i32
    %div3A_556 = arith.divsi %squeeze3A_554, %jit3A_555 : i32
    %sign3A_557 = arith.constant 0 : i32
    %sign3A_558 = arith.cmpi sgt, %squeeze3A_554, %sign3A_557 : i32
    %sign3A_559 = arith.extui %sign3A_558 : i1 to i32
    %sign3A_560 = arith.constant 0 : i32
    %sign3A_561 = arith.cmpi slt, %squeeze3A_554, %sign3A_560 : i32
    %sign3A_562 = arith.extui %sign3A_561 : i1 to i32
    %sign3A_563 = arith.subi %sign3A_559, %sign3A_562 : i32
    %sign3A_564 = arith.constant 0 : i32
    %sign3A_565 = arith.cmpi sgt, %jit3A_555, %sign3A_564 : i32
    %sign3A_566 = arith.extui %sign3A_565 : i1 to i32
    %sign3A_567 = arith.constant 0 : i32
    %sign3A_568 = arith.cmpi slt, %jit3A_555, %sign3A_567 : i32
    %sign3A_569 = arith.extui %sign3A_568 : i1 to i32
    %sign3A_570 = arith.subi %sign3A_566, %sign3A_569 : i32
    %ne3A_571 = arith.cmpi ne, %sign3A_563, %sign3A_570 : i32
    %rem3A_572 = arith.remsi %squeeze3A_554, %jit3A_555 : i32
    %ne3A_573 = arith.constant 0 : i32
    %ne3A_574 = arith.cmpi ne, %rem3A_572, %ne3A_573 : i32
    %and3A_575 = arith.andi %ne3A_571, %ne3A_574 : i1
    %sub3A_576 = arith.constant 1 : i32
    %sub3A_577 = arith.subi %div3A_556, %sub3A_576 : i32
    %select_n3A_578 = arith.select %and3A_575, %sub3A_577, %div3A_556 : i32
    %mul3A_579 = arith.constant 128 : i32
    %mul3A_580 = arith.muli %select_n3A_578, %mul3A_579 : i32
    %multiple_of3A_581 = tpu.assume_multiple %mul3A_580, 128 : i32
    %dma_start3A_582 = arith.constant 1 : i32
    %dma_start3A_583 = arith.constant 5 : i32
    %dma_start3A_584 = arith.constant 0 : i32
    %dma_start3A_585 = arith.constant 0 : i32
    %dma_start3A_586 = tpu.memref_slice %arg6[%dma_start3A_582, %dma_start3A_583, %dma_start3A_584, %dma_start3A_585] : memref<3x8x32x128xf32, #tpu.memory_space<vmem>> -> memref<1x1x32x128xf32, #tpu.memory_space<vmem>>
    %dma_start3A_587 = tpu.memref_squeeze %dma_start3A_586 : memref<1x1x32x128xf32, #tpu.memory_space<vmem>> -> memref<32x128xf32, #tpu.memory_space<vmem>>
    %dma_start3A_588 = arith.constant 0 : i32
    %dma_start3A_589 = tpu.memref_slice %arg3[%dma_start3A_588, %multiple_of3A_581] : memref<32x1000000xf32, #tpu.memory_space<hbm>> -> memref<32x128xf32, #tpu.memory_space<hbm>>
    %dma_start3A_590 = arith.constant 0 : i32
    %dma_start3A_591 = arith.constant 0 : i32
    %dma_start3A_592 = tpu.memref_slice %arg6[%dma_start3A_582, %dma_start3A_583, %dma_start3A_590, %dma_start3A_591] : memref<3x8x32x128xf32, #tpu.memory_space<vmem>> -> memref<1x1x32x128xf32, #tpu.memory_space<vmem>>
    %dma_start3A_593 = tpu.memref_squeeze %dma_start3A_592 : memref<1x1x32x128xf32, #tpu.memory_space<vmem>> -> memref<32x128xf32, #tpu.memory_space<vmem>>
    %dma_start3A_594 = arith.constant 0 : i32
    %dma_start3A_595 = tpu.memref_slice %arg3[%dma_start3A_594, %multiple_of3A_581] : memref<32x1000000xf32, #tpu.memory_space<hbm>> -> memref<32x128xf32, #tpu.memory_space<hbm>>
    tpu.enqueue_dma source(%dma_start3A_595 : memref<32x128xf32, #tpu.memory_space<hbm>>) target(%dma_start3A_593 : memref<32x128xf32, #tpu.memory_space<vmem>>) target_semaphore(%arg8 : memref<!tpu.dma_semaphore, #tpu.memory_space<semaphore_mem>>)
    %slice3A_596 = vector.extract_strided_slice %get3A_5 {offsets = [6], sizes = [1], strides = [1]} : vector<16xi32> to vector<1xi32>
    %squeeze3A_597 = vector.extract %slice3A_596[0] : i32 from vector<1xi32>
    %jit3A_598 = arith.constant 128 : i32
    %div3A_599 = arith.divsi %squeeze3A_597, %jit3A_598 : i32
    %sign3A_600 = arith.constant 0 : i32
    %sign3A_601 = arith.cmpi sgt, %squeeze3A_597, %sign3A_600 : i32
    %sign3A_602 = arith.extui %sign3A_601 : i1 to i32
    %sign3A_603 = arith.constant 0 : i32
    %sign3A_604 = arith.cmpi slt, %squeeze3A_597, %sign3A_603 : i32
    %sign3A_605 = arith.extui %sign3A_604 : i1 to i32
    %sign3A_606 = arith.subi %sign3A_602, %sign3A_605 : i32
    %sign3A_607 = arith.constant 0 : i32
    %sign3A_608 = arith.cmpi sgt, %jit3A_598, %sign3A_607 : i32
    %sign3A_609 = arith.extui %sign3A_608 : i1 to i32
    %sign3A_610 = arith.constant 0 : i32
    %sign3A_611 = arith.cmpi slt, %jit3A_598, %sign3A_610 : i32
    %sign3A_612 = arith.extui %sign3A_611 : i1 to i32
    %sign3A_613 = arith.subi %sign3A_609, %sign3A_612 : i32
    %ne3A_614 = arith.cmpi ne, %sign3A_606, %sign3A_613 : i32
    %rem3A_615 = arith.remsi %squeeze3A_597, %jit3A_598 : i32
    %ne3A_616 = arith.constant 0 : i32
    %ne3A_617 = arith.cmpi ne, %rem3A_615, %ne3A_616 : i32
    %and3A_618 = arith.andi %ne3A_614, %ne3A_617 : i1
    %sub3A_619 = arith.constant 1 : i32
    %sub3A_620 = arith.subi %div3A_599, %sub3A_619 : i32
    %select_n3A_621 = arith.select %and3A_618, %sub3A_620, %div3A_599 : i32
    %mul3A_622 = arith.constant 128 : i32
    %mul3A_623 = arith.muli %select_n3A_621, %mul3A_622 : i32
    %multiple_of3A_624 = tpu.assume_multiple %mul3A_623, 128 : i32
    %dma_start3A_625 = arith.constant 1 : i32
    %dma_start3A_626 = arith.constant 6 : i32
    %dma_start3A_627 = arith.constant 0 : i32
    %dma_start3A_628 = arith.constant 0 : i32
    %dma_start3A_629 = tpu.memref_slice %arg6[%dma_start3A_625, %dma_start3A_626, %dma_start3A_627, %dma_start3A_628] : memref<3x8x32x128xf32, #tpu.memory_space<vmem>> -> memref<1x1x32x128xf32, #tpu.memory_space<vmem>>
    %dma_start3A_630 = tpu.memref_squeeze %dma_start3A_629 : memref<1x1x32x128xf32, #tpu.memory_space<vmem>> -> memref<32x128xf32, #tpu.memory_space<vmem>>
    %dma_start3A_631 = arith.constant 0 : i32
    %dma_start3A_632 = tpu.memref_slice %arg3[%dma_start3A_631, %multiple_of3A_624] : memref<32x1000000xf32, #tpu.memory_space<hbm>> -> memref<32x128xf32, #tpu.memory_space<hbm>>
    %dma_start3A_633 = arith.constant 0 : i32
    %dma_start3A_634 = arith.constant 0 : i32
    %dma_start3A_635 = tpu.memref_slice %arg6[%dma_start3A_625, %dma_start3A_626, %dma_start3A_633, %dma_start3A_634] : memref<3x8x32x128xf32, #tpu.memory_space<vmem>> -> memref<1x1x32x128xf32, #tpu.memory_space<vmem>>
    %dma_start3A_636 = tpu.memref_squeeze %dma_start3A_635 : memref<1x1x32x128xf32, #tpu.memory_space<vmem>> -> memref<32x128xf32, #tpu.memory_space<vmem>>
    %dma_start3A_637 = arith.constant 0 : i32
    %dma_start3A_638 = tpu.memref_slice %arg3[%dma_start3A_637, %multiple_of3A_624] : memref<32x1000000xf32, #tpu.memory_space<hbm>> -> memref<32x128xf32, #tpu.memory_space<hbm>>
    tpu.enqueue_dma source(%dma_start3A_638 : memref<32x128xf32, #tpu.memory_space<hbm>>) target(%dma_start3A_636 : memref<32x128xf32, #tpu.memory_space<vmem>>) target_semaphore(%arg8 : memref<!tpu.dma_semaphore, #tpu.memory_space<semaphore_mem>>)
    %slice3A_639 = vector.extract_strided_slice %get3A_5 {offsets = [7], sizes = [1], strides = [1]} : vector<16xi32> to vector<1xi32>
    %squeeze3A_640 = vector.extract %slice3A_639[0] : i32 from vector<1xi32>
    %jit3A_641 = arith.constant 128 : i32
    %div3A_642 = arith.divsi %squeeze3A_640, %jit3A_641 : i32
    %sign3A_643 = arith.constant 0 : i32
    %sign3A_644 = arith.cmpi sgt, %squeeze3A_640, %sign3A_643 : i32
    %sign3A_645 = arith.extui %sign3A_644 : i1 to i32
    %sign3A_646 = arith.constant 0 : i32
    %sign3A_647 = arith.cmpi slt, %squeeze3A_640, %sign3A_646 : i32
    %sign3A_648 = arith.extui %sign3A_647 : i1 to i32
    %sign3A_649 = arith.subi %sign3A_645, %sign3A_648 : i32
    %sign3A_650 = arith.constant 0 : i32
    %sign3A_651 = arith.cmpi sgt, %jit3A_641, %sign3A_650 : i32
    %sign3A_652 = arith.extui %sign3A_651 : i1 to i32
    %sign3A_653 = arith.constant 0 : i32
    %sign3A_654 = arith.cmpi slt, %jit3A_641, %sign3A_653 : i32
    %sign3A_655 = arith.extui %sign3A_654 : i1 to i32
    %sign3A_656 = arith.subi %sign3A_652, %sign3A_655 : i32
    %ne3A_657 = arith.cmpi ne, %sign3A_649, %sign3A_656 : i32
    %rem3A_658 = arith.remsi %squeeze3A_640, %jit3A_641 : i32
    %ne3A_659 = arith.constant 0 : i32
    %ne3A_660 = arith.cmpi ne, %rem3A_658, %ne3A_659 : i32
    %and3A_661 = arith.andi %ne3A_657, %ne3A_660 : i1
    %sub3A_662 = arith.constant 1 : i32
    %sub3A_663 = arith.subi %div3A_642, %sub3A_662 : i32
    %select_n3A_664 = arith.select %and3A_661, %sub3A_663, %div3A_642 : i32
    %mul3A_665 = arith.constant 128 : i32
    %mul3A_666 = arith.muli %select_n3A_664, %mul3A_665 : i32
    %multiple_of3A_667 = tpu.assume_multiple %mul3A_666, 128 : i32
    %dma_start3A_668 = arith.constant 1 : i32
    %dma_start3A_669 = arith.constant 7 : i32
    %dma_start3A_670 = arith.constant 0 : i32
    %dma_start3A_671 = arith.constant 0 : i32
    %dma_start3A_672 = tpu.memref_slice %arg6[%dma_start3A_668, %dma_start3A_669, %dma_start3A_670, %dma_start3A_671] : memref<3x8x32x128xf32, #tpu.memory_space<vmem>> -> memref<1x1x32x128xf32, #tpu.memory_space<vmem>>
    %dma_start3A_673 = tpu.memref_squeeze %dma_start3A_672 : memref<1x1x32x128xf32, #tpu.memory_space<vmem>> -> memref<32x128xf32, #tpu.memory_space<vmem>>
    %dma_start3A_674 = arith.constant 0 : i32
    %dma_start3A_675 = tpu.memref_slice %arg3[%dma_start3A_674, %multiple_of3A_667] : memref<32x1000000xf32, #tpu.memory_space<hbm>> -> memref<32x128xf32, #tpu.memory_space<hbm>>
    %dma_start3A_676 = arith.constant 0 : i32
    %dma_start3A_677 = arith.constant 0 : i32
    %dma_start3A_678 = tpu.memref_slice %arg6[%dma_start3A_668, %dma_start3A_669, %dma_start3A_676, %dma_start3A_677] : memref<3x8x32x128xf32, #tpu.memory_space<vmem>> -> memref<1x1x32x128xf32, #tpu.memory_space<vmem>>
    %dma_start3A_679 = tpu.memref_squeeze %dma_start3A_678 : memref<1x1x32x128xf32, #tpu.memory_space<vmem>> -> memref<32x128xf32, #tpu.memory_space<vmem>>
    %dma_start3A_680 = arith.constant 0 : i32
    %dma_start3A_681 = tpu.memref_slice %arg3[%dma_start3A_680, %multiple_of3A_667] : memref<32x1000000xf32, #tpu.memory_space<hbm>> -> memref<32x128xf32, #tpu.memory_space<hbm>>
    tpu.enqueue_dma source(%dma_start3A_681 : memref<32x128xf32, #tpu.memory_space<hbm>>) target(%dma_start3A_679 : memref<32x128xf32, #tpu.memory_space<vmem>>) target_semaphore(%arg8 : memref<!tpu.dma_semaphore, #tpu.memory_space<semaphore_mem>>)
    %scan3A = arith.constant 0 : i32
    %scan3A_682 = arith.constant 64 : i32
    %scan3A_683 = arith.addi %scan3A, %scan3A_682 : i32
    %scan3A_684 = arith.constant 1 : i32
    %scan3A_685:2 = scf.for %scan3A_687 = %scan3A to %scan3A_683 step %scan3A_684 iter_args(%scan3A_688 = %get3A_3, %scan3A_689 = %get3A_5) -> (vector<16xi32>, vector<16xi32>)  : i32 {
      %rem3A_690 = arith.constant 3 : i32
      %rem3A_691 = arith.remsi %scan3A_687, %rem3A_690 : i32
      %add3A_692 = arith.constant 2 : i32
      %add3A_693 = arith.addi %scan3A_687, %add3A_692 : i32
      %mul3A_694 = arith.constant 8 : i32
      %mul3A_695 = arith.muli %add3A_693, %mul3A_694 : i32
      %get3A_696 = arith.index_cast %mul3A_695 : i32 to index
      %get3A_697 = tpu.vector_load %arg5[%get3A_696] {strides = array<i32>} : memref<544xi32, #tpu.memory_space<vmem>>, vector<16xi32>,
      %lt3A = arith.constant 62 : i32
      %lt3A_698 = arith.cmpi slt, %scan3A_687, %lt3A : i32
      %convert_element_type3A = arith.extui %lt3A_698 : i1 to i32
      %cond3A = arith.constant 0 : i32
      %cond3A_699 = arith.cmpi ne, %convert_element_type3A, %cond3A : i32
      scf.if %cond3A_699 {
        %add3A_1041 = arith.constant 2 : i32
        %add3A_1042 = arith.addi %scan3A_687, %add3A_1041 : i32
        %rem3A_1043 = arith.constant 3 : i32
        %rem3A_1044 = arith.remsi %add3A_1042, %rem3A_1043 : i32
        %slice3A_1045 = vector.extract_strided_slice %get3A_697 {offsets = [0], sizes = [1], strides = [1]} : vector<16xi32> to vector<1xi32>
        %squeeze3A_1046 = vector.extract %slice3A_1045[0] : i32 from vector<1xi32>
        %jit3A_1047 = arith.constant 128 : i32
        %div3A_1048 = arith.divsi %squeeze3A_1046, %jit3A_1047 : i32
        %sign3A_1049 = arith.constant 0 : i32
        %sign3A_1050 = arith.cmpi sgt, %squeeze3A_1046, %sign3A_1049 : i32
        %sign3A_1051 = arith.extui %sign3A_1050 : i1 to i32
        %sign3A_1052 = arith.constant 0 : i32
        %sign3A_1053 = arith.cmpi slt, %squeeze3A_1046, %sign3A_1052 : i32
        %sign3A_1054 = arith.extui %sign3A_1053 : i1 to i32
        %sign3A_1055 = arith.subi %sign3A_1051, %sign3A_1054 : i32
        %sign3A_1056 = arith.constant 0 : i32
        %sign3A_1057 = arith.cmpi sgt, %jit3A_1047, %sign3A_1056 : i32
        %sign3A_1058 = arith.extui %sign3A_1057 : i1 to i32
        %sign3A_1059 = arith.constant 0 : i32
        %sign3A_1060 = arith.cmpi slt, %jit3A_1047, %sign3A_1059 : i32
        %sign3A_1061 = arith.extui %sign3A_1060 : i1 to i32
        %sign3A_1062 = arith.subi %sign3A_1058, %sign3A_1061 : i32
        %ne3A_1063 = arith.cmpi ne, %sign3A_1055, %sign3A_1062 : i32
        %rem3A_1064 = arith.remsi %squeeze3A_1046, %jit3A_1047 : i32
        %ne3A_1065 = arith.constant 0 : i32
        %ne3A_1066 = arith.cmpi ne, %rem3A_1064, %ne3A_1065 : i32
        %and3A_1067 = arith.andi %ne3A_1063, %ne3A_1066 : i1
        %sub3A_1068 = arith.constant 1 : i32
        %sub3A_1069 = arith.subi %div3A_1048, %sub3A_1068 : i32
        %select_n3A_1070 = arith.select %and3A_1067, %sub3A_1069, %div3A_1048 : i32
        %mul3A_1071 = arith.constant 128 : i32
        %mul3A_1072 = arith.muli %select_n3A_1070, %mul3A_1071 : i32
        %multiple_of3A_1073 = tpu.assume_multiple %mul3A_1072, 128 : i32
        %dma_start3A_1074 = arith.constant 0 : i32
        %dma_start3A_1075 = arith.constant 0 : i32
        %dma_start3A_1076 = arith.constant 0 : i32
        %dma_start3A_1077 = tpu.memref_slice %arg6[%rem3A_1044, %dma_start3A_1074, %dma_start3A_1075, %dma_start3A_1076] : memref<3x8x32x128xf32, #tpu.memory_space<vmem>> -> memref<1x1x32x128xf32, #tpu.memory_space<vmem>>
        %dma_start3A_1078 = tpu.memref_squeeze %dma_start3A_1077 : memref<1x1x32x128xf32, #tpu.memory_space<vmem>> -> memref<32x128xf32, #tpu.memory_space<vmem>>
        %dma_start3A_1079 = arith.constant 0 : i32
        %dma_start3A_1080 = tpu.memref_slice %arg3[%dma_start3A_1079, %multiple_of3A_1073] : memref<32x1000000xf32, #tpu.memory_space<hbm>> -> memref<32x128xf32, #tpu.memory_space<hbm>>
        %dma_start3A_1081 = arith.constant 0 : i32
        %dma_start3A_1082 = arith.constant 0 : i32
        %dma_start3A_1083 = tpu.memref_slice %arg6[%rem3A_1044, %dma_start3A_1074, %dma_start3A_1081, %dma_start3A_1082] : memref<3x8x32x128xf32, #tpu.memory_space<vmem>> -> memref<1x1x32x128xf32, #tpu.memory_space<vmem>>
        %dma_start3A_1084 = tpu.memref_squeeze %dma_start3A_1083 : memref<1x1x32x128xf32, #tpu.memory_space<vmem>> -> memref<32x128xf32, #tpu.memory_space<vmem>>
        %dma_start3A_1085 = arith.constant 0 : i32
        %dma_start3A_1086 = tpu.memref_slice %arg3[%dma_start3A_1085, %multiple_of3A_1073] : memref<32x1000000xf32, #tpu.memory_space<hbm>> -> memref<32x128xf32, #tpu.memory_space<hbm>>
        tpu.enqueue_dma source(%dma_start3A_1086 : memref<32x128xf32, #tpu.memory_space<hbm>>) target(%dma_start3A_1084 : memref<32x128xf32, #tpu.memory_space<vmem>>) target_semaphore(%arg8 : memref<!tpu.dma_semaphore, #tpu.memory_space<semaphore_mem>>)
        %slice3A_1087 = vector.extract_strided_slice %get3A_697 {offsets = [1], sizes = [1], strides = [1]} : vector<16xi32> to vector<1xi32>
        %squeeze3A_1088 = vector.extract %slice3A_1087[0] : i32 from vector<1xi32>
        %jit3A_1089 = arith.constant 128 : i32
        %div3A_1090 = arith.divsi %squeeze3A_1088, %jit3A_1089 : i32
        %sign3A_1091 = arith.constant 0 : i32
        %sign3A_1092 = arith.cmpi sgt, %squeeze3A_1088, %sign3A_1091 : i32
        %sign3A_1093 = arith.extui %sign3A_1092 : i1 to i32
        %sign3A_1094 = arith.constant 0 : i32
        %sign3A_1095 = arith.cmpi slt, %squeeze3A_1088, %sign3A_1094 : i32
        %sign3A_1096 = arith.extui %sign3A_1095 : i1 to i32
        %sign3A_1097 = arith.subi %sign3A_1093, %sign3A_1096 : i32
        %sign3A_1098 = arith.constant 0 : i32
        %sign3A_1099 = arith.cmpi sgt, %jit3A_1089, %sign3A_1098 : i32
        %sign3A_1100 = arith.extui %sign3A_1099 : i1 to i32
        %sign3A_1101 = arith.constant 0 : i32
        %sign3A_1102 = arith.cmpi slt, %jit3A_1089, %sign3A_1101 : i32
        %sign3A_1103 = arith.extui %sign3A_1102 : i1 to i32
        %sign3A_1104 = arith.subi %sign3A_1100, %sign3A_1103 : i32
        %ne3A_1105 = arith.cmpi ne, %sign3A_1097, %sign3A_1104 : i32
        %rem3A_1106 = arith.remsi %squeeze3A_1088, %jit3A_1089 : i32
        %ne3A_1107 = arith.constant 0 : i32
        %ne3A_1108 = arith.cmpi ne, %rem3A_1106, %ne3A_1107 : i32
        %and3A_1109 = arith.andi %ne3A_1105, %ne3A_1108 : i1
        %sub3A_1110 = arith.constant 1 : i32
        %sub3A_1111 = arith.subi %div3A_1090, %sub3A_1110 : i32
        %select_n3A_1112 = arith.select %and3A_1109, %sub3A_1111, %div3A_1090 : i32
        %mul3A_1113 = arith.constant 128 : i32
        %mul3A_1114 = arith.muli %select_n3A_1112, %mul3A_1113 : i32
        %multiple_of3A_1115 = tpu.assume_multiple %mul3A_1114, 128 : i32
        %dma_start3A_1116 = arith.constant 1 : i32
        %dma_start3A_1117 = arith.constant 0 : i32
        %dma_start3A_1118 = arith.constant 0 : i32
        %dma_start3A_1119 = tpu.memref_slice %arg6[%rem3A_1044, %dma_start3A_1116, %dma_start3A_1117, %dma_start3A_1118] : memref<3x8x32x128xf32, #tpu.memory_space<vmem>> -> memref<1x1x32x128xf32, #tpu.memory_space<vmem>>
        %dma_start3A_1120 = tpu.memref_squeeze %dma_start3A_1119 : memref<1x1x32x128xf32, #tpu.memory_space<vmem>> -> memref<32x128xf32, #tpu.memory_space<vmem>>
        %dma_start3A_1121 = arith.constant 0 : i32
        %dma_start3A_1122 = tpu.memref_slice %arg3[%dma_start3A_1121, %multiple_of3A_1115] : memref<32x1000000xf32, #tpu.memory_space<hbm>> -> memref<32x128xf32, #tpu.memory_space<hbm>>
        %dma_start3A_1123 = arith.constant 0 : i32
        %dma_start3A_1124 = arith.constant 0 : i32
        %dma_start3A_1125 = tpu.memref_slice %arg6[%rem3A_1044, %dma_start3A_1116, %dma_start3A_1123, %dma_start3A_1124] : memref<3x8x32x128xf32, #tpu.memory_space<vmem>> -> memref<1x1x32x128xf32, #tpu.memory_space<vmem>>
        %dma_start3A_1126 = tpu.memref_squeeze %dma_start3A_1125 : memref<1x1x32x128xf32, #tpu.memory_space<vmem>> -> memref<32x128xf32, #tpu.memory_space<vmem>>
        %dma_start3A_1127 = arith.constant 0 : i32
        %dma_start3A_1128 = tpu.memref_slice %arg3[%dma_start3A_1127, %multiple_of3A_1115] : memref<32x1000000xf32, #tpu.memory_space<hbm>> -> memref<32x128xf32, #tpu.memory_space<hbm>>
        tpu.enqueue_dma source(%dma_start3A_1128 : memref<32x128xf32, #tpu.memory_space<hbm>>) target(%dma_start3A_1126 : memref<32x128xf32, #tpu.memory_space<vmem>>) target_semaphore(%arg8 : memref<!tpu.dma_semaphore, #tpu.memory_space<semaphore_mem>>)
        %slice3A_1129 = vector.extract_strided_slice %get3A_697 {offsets = [2], sizes = [1], strides = [1]} : vector<16xi32> to vector<1xi32>
        %squeeze3A_1130 = vector.extract %slice3A_1129[0] : i32 from vector<1xi32>
        %jit3A_1131 = arith.constant 128 : i32
        %div3A_1132 = arith.divsi %squeeze3A_1130, %jit3A_1131 : i32
        %sign3A_1133 = arith.constant 0 : i32
        %sign3A_1134 = arith.cmpi sgt, %squeeze3A_1130, %sign3A_1133 : i32
        %sign3A_1135 = arith.extui %sign3A_1134 : i1 to i32
        %sign3A_1136 = arith.constant 0 : i32
        %sign3A_1137 = arith.cmpi slt, %squeeze3A_1130, %sign3A_1136 : i32
        %sign3A_1138 = arith.extui %sign3A_1137 : i1 to i32
        %sign3A_1139 = arith.subi %sign3A_1135, %sign3A_1138 : i32
        %sign3A_1140 = arith.constant 0 : i32
        %sign3A_1141 = arith.cmpi sgt, %jit3A_1131, %sign3A_1140 : i32
        %sign3A_1142 = arith.extui %sign3A_1141 : i1 to i32
        %sign3A_1143 = arith.constant 0 : i32
        %sign3A_1144 = arith.cmpi slt, %jit3A_1131, %sign3A_1143 : i32
        %sign3A_1145 = arith.extui %sign3A_1144 : i1 to i32
        %sign3A_1146 = arith.subi %sign3A_1142, %sign3A_1145 : i32
        %ne3A_1147 = arith.cmpi ne, %sign3A_1139, %sign3A_1146 : i32
        %rem3A_1148 = arith.remsi %squeeze3A_1130, %jit3A_1131 : i32
        %ne3A_1149 = arith.constant 0 : i32
        %ne3A_1150 = arith.cmpi ne, %rem3A_1148, %ne3A_1149 : i32
        %and3A_1151 = arith.andi %ne3A_1147, %ne3A_1150 : i1
        %sub3A_1152 = arith.constant 1 : i32
        %sub3A_1153 = arith.subi %div3A_1132, %sub3A_1152 : i32
        %select_n3A_1154 = arith.select %and3A_1151, %sub3A_1153, %div3A_1132 : i32
        %mul3A_1155 = arith.constant 128 : i32
        %mul3A_1156 = arith.muli %select_n3A_1154, %mul3A_1155 : i32
        %multiple_of3A_1157 = tpu.assume_multiple %mul3A_1156, 128 : i32
        %dma_start3A_1158 = arith.constant 2 : i32
        %dma_start3A_1159 = arith.constant 0 : i32
        %dma_start3A_1160 = arith.constant 0 : i32
        %dma_start3A_1161 = tpu.memref_slice %arg6[%rem3A_1044, %dma_start3A_1158, %dma_start3A_1159, %dma_start3A_1160] : memref<3x8x32x128xf32, #tpu.memory_space<vmem>> -> memref<1x1x32x128xf32, #tpu.memory_space<vmem>>
        %dma_start3A_1162 = tpu.memref_squeeze %dma_start3A_1161 : memref<1x1x32x128xf32, #tpu.memory_space<vmem>> -> memref<32x128xf32, #tpu.memory_space<vmem>>
        %dma_start3A_1163 = arith.constant 0 : i32
        %dma_start3A_1164 = tpu.memref_slice %arg3[%dma_start3A_1163, %multiple_of3A_1157] : memref<32x1000000xf32, #tpu.memory_space<hbm>> -> memref<32x128xf32, #tpu.memory_space<hbm>>
        %dma_start3A_1165 = arith.constant 0 : i32
        %dma_start3A_1166 = arith.constant 0 : i32
        %dma_start3A_1167 = tpu.memref_slice %arg6[%rem3A_1044, %dma_start3A_1158, %dma_start3A_1165, %dma_start3A_1166] : memref<3x8x32x128xf32, #tpu.memory_space<vmem>> -> memref<1x1x32x128xf32, #tpu.memory_space<vmem>>
        %dma_start3A_1168 = tpu.memref_squeeze %dma_start3A_1167 : memref<1x1x32x128xf32, #tpu.memory_space<vmem>> -> memref<32x128xf32, #tpu.memory_space<vmem>>
        %dma_start3A_1169 = arith.constant 0 : i32
        %dma_start3A_1170 = tpu.memref_slice %arg3[%dma_start3A_1169, %multiple_of3A_1157] : memref<32x1000000xf32, #tpu.memory_space<hbm>> -> memref<32x128xf32, #tpu.memory_space<hbm>>
        tpu.enqueue_dma source(%dma_start3A_1170 : memref<32x128xf32, #tpu.memory_space<hbm>>) target(%dma_start3A_1168 : memref<32x128xf32, #tpu.memory_space<vmem>>) target_semaphore(%arg8 : memref<!tpu.dma_semaphore, #tpu.memory_space<semaphore_mem>>)
        %slice3A_1171 = vector.extract_strided_slice %get3A_697 {offsets = [3], sizes = [1], strides = [1]} : vector<16xi32> to vector<1xi32>
        %squeeze3A_1172 = vector.extract %slice3A_1171[0] : i32 from vector<1xi32>
        %jit3A_1173 = arith.constant 128 : i32
        %div3A_1174 = arith.divsi %squeeze3A_1172, %jit3A_1173 : i32
        %sign3A_1175 = arith.constant 0 : i32
        %sign3A_1176 = arith.cmpi sgt, %squeeze3A_1172, %sign3A_1175 : i32
        %sign3A_1177 = arith.extui %sign3A_1176 : i1 to i32
        %sign3A_1178 = arith.constant 0 : i32
        %sign3A_1179 = arith.cmpi slt, %squeeze3A_1172, %sign3A_1178 : i32
        %sign3A_1180 = arith.extui %sign3A_1179 : i1 to i32
        %sign3A_1181 = arith.subi %sign3A_1177, %sign3A_1180 : i32
        %sign3A_1182 = arith.constant 0 : i32
        %sign3A_1183 = arith.cmpi sgt, %jit3A_1173, %sign3A_1182 : i32
        %sign3A_1184 = arith.extui %sign3A_1183 : i1 to i32
        %sign3A_1185 = arith.constant 0 : i32
        %sign3A_1186 = arith.cmpi slt, %jit3A_1173, %sign3A_1185 : i32
        %sign3A_1187 = arith.extui %sign3A_1186 : i1 to i32
        %sign3A_1188 = arith.subi %sign3A_1184, %sign3A_1187 : i32
        %ne3A_1189 = arith.cmpi ne, %sign3A_1181, %sign3A_1188 : i32
        %rem3A_1190 = arith.remsi %squeeze3A_1172, %jit3A_1173 : i32
        %ne3A_1191 = arith.constant 0 : i32
        %ne3A_1192 = arith.cmpi ne, %rem3A_1190, %ne3A_1191 : i32
        %and3A_1193 = arith.andi %ne3A_1189, %ne3A_1192 : i1
        %sub3A_1194 = arith.constant 1 : i32
        %sub3A_1195 = arith.subi %div3A_1174, %sub3A_1194 : i32
        %select_n3A_1196 = arith.select %and3A_1193, %sub3A_1195, %div3A_1174 : i32
        %mul3A_1197 = arith.constant 128 : i32
        %mul3A_1198 = arith.muli %select_n3A_1196, %mul3A_1197 : i32
        %multiple_of3A_1199 = tpu.assume_multiple %mul3A_1198, 128 : i32
        %dma_start3A_1200 = arith.constant 3 : i32
        %dma_start3A_1201 = arith.constant 0 : i32
        %dma_start3A_1202 = arith.constant 0 : i32
        %dma_start3A_1203 = tpu.memref_slice %arg6[%rem3A_1044, %dma_start3A_1200, %dma_start3A_1201, %dma_start3A_1202] : memref<3x8x32x128xf32, #tpu.memory_space<vmem>> -> memref<1x1x32x128xf32, #tpu.memory_space<vmem>>
        %dma_start3A_1204 = tpu.memref_squeeze %dma_start3A_1203 : memref<1x1x32x128xf32, #tpu.memory_space<vmem>> -> memref<32x128xf32, #tpu.memory_space<vmem>>
        %dma_start3A_1205 = arith.constant 0 : i32
        %dma_start3A_1206 = tpu.memref_slice %arg3[%dma_start3A_1205, %multiple_of3A_1199] : memref<32x1000000xf32, #tpu.memory_space<hbm>> -> memref<32x128xf32, #tpu.memory_space<hbm>>
        %dma_start3A_1207 = arith.constant 0 : i32
        %dma_start3A_1208 = arith.constant 0 : i32
        %dma_start3A_1209 = tpu.memref_slice %arg6[%rem3A_1044, %dma_start3A_1200, %dma_start3A_1207, %dma_start3A_1208] : memref<3x8x32x128xf32, #tpu.memory_space<vmem>> -> memref<1x1x32x128xf32, #tpu.memory_space<vmem>>
        %dma_start3A_1210 = tpu.memref_squeeze %dma_start3A_1209 : memref<1x1x32x128xf32, #tpu.memory_space<vmem>> -> memref<32x128xf32, #tpu.memory_space<vmem>>
        %dma_start3A_1211 = arith.constant 0 : i32
        %dma_start3A_1212 = tpu.memref_slice %arg3[%dma_start3A_1211, %multiple_of3A_1199] : memref<32x1000000xf32, #tpu.memory_space<hbm>> -> memref<32x128xf32, #tpu.memory_space<hbm>>
        tpu.enqueue_dma source(%dma_start3A_1212 : memref<32x128xf32, #tpu.memory_space<hbm>>) target(%dma_start3A_1210 : memref<32x128xf32, #tpu.memory_space<vmem>>) target_semaphore(%arg8 : memref<!tpu.dma_semaphore, #tpu.memory_space<semaphore_mem>>)
        %slice3A_1213 = vector.extract_strided_slice %get3A_697 {offsets = [4], sizes = [1], strides = [1]} : vector<16xi32> to vector<1xi32>
        %squeeze3A_1214 = vector.extract %slice3A_1213[0] : i32 from vector<1xi32>
        %jit3A_1215 = arith.constant 128 : i32
        %div3A_1216 = arith.divsi %squeeze3A_1214, %jit3A_1215 : i32
        %sign3A_1217 = arith.constant 0 : i32
        %sign3A_1218 = arith.cmpi sgt, %squeeze3A_1214, %sign3A_1217 : i32
        %sign3A_1219 = arith.extui %sign3A_1218 : i1 to i32
        %sign3A_1220 = arith.constant 0 : i32
        %sign3A_1221 = arith.cmpi slt, %squeeze3A_1214, %sign3A_1220 : i32
        %sign3A_1222 = arith.extui %sign3A_1221 : i1 to i32
        %sign3A_1223 = arith.subi %sign3A_1219, %sign3A_1222 : i32
        %sign3A_1224 = arith.constant 0 : i32
        %sign3A_1225 = arith.cmpi sgt, %jit3A_1215, %sign3A_1224 : i32
        %sign3A_1226 = arith.extui %sign3A_1225 : i1 to i32
        %sign3A_1227 = arith.constant 0 : i32
        %sign3A_1228 = arith.cmpi slt, %jit3A_1215, %sign3A_1227 : i32
        %sign3A_1229 = arith.extui %sign3A_1228 : i1 to i32
        %sign3A_1230 = arith.subi %sign3A_1226, %sign3A_1229 : i32
        %ne3A_1231 = arith.cmpi ne, %sign3A_1223, %sign3A_1230 : i32
        %rem3A_1232 = arith.remsi %squeeze3A_1214, %jit3A_1215 : i32
        %ne3A_1233 = arith.constant 0 : i32
        %ne3A_1234 = arith.cmpi ne, %rem3A_1232, %ne3A_1233 : i32
        %and3A_1235 = arith.andi %ne3A_1231, %ne3A_1234 : i1
        %sub3A_1236 = arith.constant 1 : i32
        %sub3A_1237 = arith.subi %div3A_1216, %sub3A_1236 : i32
        %select_n3A_1238 = arith.select %and3A_1235, %sub3A_1237, %div3A_1216 : i32
        %mul3A_1239 = arith.constant 128 : i32
        %mul3A_1240 = arith.muli %select_n3A_1238, %mul3A_1239 : i32
        %multiple_of3A_1241 = tpu.assume_multiple %mul3A_1240, 128 : i32
        %dma_start3A_1242 = arith.constant 4 : i32
        %dma_start3A_1243 = arith.constant 0 : i32
        %dma_start3A_1244 = arith.constant 0 : i32
        %dma_start3A_1245 = tpu.memref_slice %arg6[%rem3A_1044, %dma_start3A_1242, %dma_start3A_1243, %dma_start3A_1244] : memref<3x8x32x128xf32, #tpu.memory_space<vmem>> -> memref<1x1x32x128xf32, #tpu.memory_space<vmem>>
        %dma_start3A_1246 = tpu.memref_squeeze %dma_start3A_1245 : memref<1x1x32x128xf32, #tpu.memory_space<vmem>> -> memref<32x128xf32, #tpu.memory_space<vmem>>
        %dma_start3A_1247 = arith.constant 0 : i32
        %dma_start3A_1248 = tpu.memref_slice %arg3[%dma_start3A_1247, %multiple_of3A_1241] : memref<32x1000000xf32, #tpu.memory_space<hbm>> -> memref<32x128xf32, #tpu.memory_space<hbm>>
        %dma_start3A_1249 = arith.constant 0 : i32
        %dma_start3A_1250 = arith.constant 0 : i32
        %dma_start3A_1251 = tpu.memref_slice %arg6[%rem3A_1044, %dma_start3A_1242, %dma_start3A_1249, %dma_start3A_1250] : memref<3x8x32x128xf32, #tpu.memory_space<vmem>> -> memref<1x1x32x128xf32, #tpu.memory_space<vmem>>
        %dma_start3A_1252 = tpu.memref_squeeze %dma_start3A_1251 : memref<1x1x32x128xf32, #tpu.memory_space<vmem>> -> memref<32x128xf32, #tpu.memory_space<vmem>>
        %dma_start3A_1253 = arith.constant 0 : i32
        %dma_start3A_1254 = tpu.memref_slice %arg3[%dma_start3A_1253, %multiple_of3A_1241] : memref<32x1000000xf32, #tpu.memory_space<hbm>> -> memref<32x128xf32, #tpu.memory_space<hbm>>
        tpu.enqueue_dma source(%dma_start3A_1254 : memref<32x128xf32, #tpu.memory_space<hbm>>) target(%dma_start3A_1252 : memref<32x128xf32, #tpu.memory_space<vmem>>) target_semaphore(%arg8 : memref<!tpu.dma_semaphore, #tpu.memory_space<semaphore_mem>>)
        %slice3A_1255 = vector.extract_strided_slice %get3A_697 {offsets = [5], sizes = [1], strides = [1]} : vector<16xi32> to vector<1xi32>
        %squeeze3A_1256 = vector.extract %slice3A_1255[0] : i32 from vector<1xi32>
        %jit3A_1257 = arith.constant 128 : i32
        %div3A_1258 = arith.divsi %squeeze3A_1256, %jit3A_1257 : i32
        %sign3A_1259 = arith.constant 0 : i32
        %sign3A_1260 = arith.cmpi sgt, %squeeze3A_1256, %sign3A_1259 : i32
        %sign3A_1261 = arith.extui %sign3A_1260 : i1 to i32
        %sign3A_1262 = arith.constant 0 : i32
        %sign3A_1263 = arith.cmpi slt, %squeeze3A_1256, %sign3A_1262 : i32
        %sign3A_1264 = arith.extui %sign3A_1263 : i1 to i32
        %sign3A_1265 = arith.subi %sign3A_1261, %sign3A_1264 : i32
        %sign3A_1266 = arith.constant 0 : i32
        %sign3A_1267 = arith.cmpi sgt, %jit3A_1257, %sign3A_1266 : i32
        %sign3A_1268 = arith.extui %sign3A_1267 : i1 to i32
        %sign3A_1269 = arith.constant 0 : i32
        %sign3A_1270 = arith.cmpi slt, %jit3A_1257, %sign3A_1269 : i32
        %sign3A_1271 = arith.extui %sign3A_1270 : i1 to i32
        %sign3A_1272 = arith.subi %sign3A_1268, %sign3A_1271 : i32
        %ne3A_1273 = arith.cmpi ne, %sign3A_1265, %sign3A_1272 : i32
        %rem3A_1274 = arith.remsi %squeeze3A_1256, %jit3A_1257 : i32
        %ne3A_1275 = arith.constant 0 : i32
        %ne3A_1276 = arith.cmpi ne, %rem3A_1274, %ne3A_1275 : i32
        %and3A_1277 = arith.andi %ne3A_1273, %ne3A_1276 : i1
        %sub3A_1278 = arith.constant 1 : i32
        %sub3A_1279 = arith.subi %div3A_1258, %sub3A_1278 : i32
        %select_n3A_1280 = arith.select %and3A_1277, %sub3A_1279, %div3A_1258 : i32
        %mul3A_1281 = arith.constant 128 : i32
        %mul3A_1282 = arith.muli %select_n3A_1280, %mul3A_1281 : i32
        %multiple_of3A_1283 = tpu.assume_multiple %mul3A_1282, 128 : i32
        %dma_start3A_1284 = arith.constant 5 : i32
        %dma_start3A_1285 = arith.constant 0 : i32
        %dma_start3A_1286 = arith.constant 0 : i32
        %dma_start3A_1287 = tpu.memref_slice %arg6[%rem3A_1044, %dma_start3A_1284, %dma_start3A_1285, %dma_start3A_1286] : memref<3x8x32x128xf32, #tpu.memory_space<vmem>> -> memref<1x1x32x128xf32, #tpu.memory_space<vmem>>
        %dma_start3A_1288 = tpu.memref_squeeze %dma_start3A_1287 : memref<1x1x32x128xf32, #tpu.memory_space<vmem>> -> memref<32x128xf32, #tpu.memory_space<vmem>>
        %dma_start3A_1289 = arith.constant 0 : i32
        %dma_start3A_1290 = tpu.memref_slice %arg3[%dma_start3A_1289, %multiple_of3A_1283] : memref<32x1000000xf32, #tpu.memory_space<hbm>> -> memref<32x128xf32, #tpu.memory_space<hbm>>
        %dma_start3A_1291 = arith.constant 0 : i32
        %dma_start3A_1292 = arith.constant 0 : i32
        %dma_start3A_1293 = tpu.memref_slice %arg6[%rem3A_1044, %dma_start3A_1284, %dma_start3A_1291, %dma_start3A_1292] : memref<3x8x32x128xf32, #tpu.memory_space<vmem>> -> memref<1x1x32x128xf32, #tpu.memory_space<vmem>>
        %dma_start3A_1294 = tpu.memref_squeeze %dma_start3A_1293 : memref<1x1x32x128xf32, #tpu.memory_space<vmem>> -> memref<32x128xf32, #tpu.memory_space<vmem>>
        %dma_start3A_1295 = arith.constant 0 : i32
        %dma_start3A_1296 = tpu.memref_slice %arg3[%dma_start3A_1295, %multiple_of3A_1283] : memref<32x1000000xf32, #tpu.memory_space<hbm>> -> memref<32x128xf32, #tpu.memory_space<hbm>>
        tpu.enqueue_dma source(%dma_start3A_1296 : memref<32x128xf32, #tpu.memory_space<hbm>>) target(%dma_start3A_1294 : memref<32x128xf32, #tpu.memory_space<vmem>>) target_semaphore(%arg8 : memref<!tpu.dma_semaphore, #tpu.memory_space<semaphore_mem>>)
        %slice3A_1297 = vector.extract_strided_slice %get3A_697 {offsets = [6], sizes = [1], strides = [1]} : vector<16xi32> to vector<1xi32>
        %squeeze3A_1298 = vector.extract %slice3A_1297[0] : i32 from vector<1xi32>
        %jit3A_1299 = arith.constant 128 : i32
        %div3A_1300 = arith.divsi %squeeze3A_1298, %jit3A_1299 : i32
        %sign3A_1301 = arith.constant 0 : i32
        %sign3A_1302 = arith.cmpi sgt, %squeeze3A_1298, %sign3A_1301 : i32
        %sign3A_1303 = arith.extui %sign3A_1302 : i1 to i32
        %sign3A_1304 = arith.constant 0 : i32
        %sign3A_1305 = arith.cmpi slt, %squeeze3A_1298, %sign3A_1304 : i32
        %sign3A_1306 = arith.extui %sign3A_1305 : i1 to i32
        %sign3A_1307 = arith.subi %sign3A_1303, %sign3A_1306 : i32
        %sign3A_1308 = arith.constant 0 : i32
        %sign3A_1309 = arith.cmpi sgt, %jit3A_1299, %sign3A_1308 : i32
        %sign3A_1310 = arith.extui %sign3A_1309 : i1 to i32
        %sign3A_1311 = arith.constant 0 : i32
        %sign3A_1312 = arith.cmpi slt, %jit3A_1299, %sign3A_1311 : i32
        %sign3A_1313 = arith.extui %sign3A_1312 : i1 to i32
        %sign3A_1314 = arith.subi %sign3A_1310, %sign3A_1313 : i32
        %ne3A_1315 = arith.cmpi ne, %sign3A_1307, %sign3A_1314 : i32
        %rem3A_1316 = arith.remsi %squeeze3A_1298, %jit3A_1299 : i32
        %ne3A_1317 = arith.constant 0 : i32
        %ne3A_1318 = arith.cmpi ne, %rem3A_1316, %ne3A_1317 : i32
        %and3A_1319 = arith.andi %ne3A_1315, %ne3A_1318 : i1
        %sub3A_1320 = arith.constant 1 : i32
        %sub3A_1321 = arith.subi %div3A_1300, %sub3A_1320 : i32
        %select_n3A_1322 = arith.select %and3A_1319, %sub3A_1321, %div3A_1300 : i32
        %mul3A_1323 = arith.constant 128 : i32
        %mul3A_1324 = arith.muli %select_n3A_1322, %mul3A_1323 : i32
        %multiple_of3A_1325 = tpu.assume_multiple %mul3A_1324, 128 : i32
        %dma_start3A_1326 = arith.constant 6 : i32
        %dma_start3A_1327 = arith.constant 0 : i32
        %dma_start3A_1328 = arith.constant 0 : i32
        %dma_start3A_1329 = tpu.memref_slice %arg6[%rem3A_1044, %dma_start3A_1326, %dma_start3A_1327, %dma_start3A_1328] : memref<3x8x32x128xf32, #tpu.memory_space<vmem>> -> memref<1x1x32x128xf32, #tpu.memory_space<vmem>>
        %dma_start3A_1330 = tpu.memref_squeeze %dma_start3A_1329 : memref<1x1x32x128xf32, #tpu.memory_space<vmem>> -> memref<32x128xf32, #tpu.memory_space<vmem>>
        %dma_start3A_1331 = arith.constant 0 : i32
        %dma_start3A_1332 = tpu.memref_slice %arg3[%dma_start3A_1331, %multiple_of3A_1325] : memref<32x1000000xf32, #tpu.memory_space<hbm>> -> memref<32x128xf32, #tpu.memory_space<hbm>>
        %dma_start3A_1333 = arith.constant 0 : i32
        %dma_start3A_1334 = arith.constant 0 : i32
        %dma_start3A_1335 = tpu.memref_slice %arg6[%rem3A_1044, %dma_start3A_1326, %dma_start3A_1333, %dma_start3A_1334] : memref<3x8x32x128xf32, #tpu.memory_space<vmem>> -> memref<1x1x32x128xf32, #tpu.memory_space<vmem>>
        %dma_start3A_1336 = tpu.memref_squeeze %dma_start3A_1335 : memref<1x1x32x128xf32, #tpu.memory_space<vmem>> -> memref<32x128xf32, #tpu.memory_space<vmem>>
        %dma_start3A_1337 = arith.constant 0 : i32
        %dma_start3A_1338 = tpu.memref_slice %arg3[%dma_start3A_1337, %multiple_of3A_1325] : memref<32x1000000xf32, #tpu.memory_space<hbm>> -> memref<32x128xf32, #tpu.memory_space<hbm>>
        tpu.enqueue_dma source(%dma_start3A_1338 : memref<32x128xf32, #tpu.memory_space<hbm>>) target(%dma_start3A_1336 : memref<32x128xf32, #tpu.memory_space<vmem>>) target_semaphore(%arg8 : memref<!tpu.dma_semaphore, #tpu.memory_space<semaphore_mem>>)
        %slice3A_1339 = vector.extract_strided_slice %get3A_697 {offsets = [7], sizes = [1], strides = [1]} : vector<16xi32> to vector<1xi32>
        %squeeze3A_1340 = vector.extract %slice3A_1339[0] : i32 from vector<1xi32>
        %jit3A_1341 = arith.constant 128 : i32
        %div3A_1342 = arith.divsi %squeeze3A_1340, %jit3A_1341 : i32
        %sign3A_1343 = arith.constant 0 : i32
        %sign3A_1344 = arith.cmpi sgt, %squeeze3A_1340, %sign3A_1343 : i32
        %sign3A_1345 = arith.extui %sign3A_1344 : i1 to i32
        %sign3A_1346 = arith.constant 0 : i32
        %sign3A_1347 = arith.cmpi slt, %squeeze3A_1340, %sign3A_1346 : i32
        %sign3A_1348 = arith.extui %sign3A_1347 : i1 to i32
        %sign3A_1349 = arith.subi %sign3A_1345, %sign3A_1348 : i32
        %sign3A_1350 = arith.constant 0 : i32
        %sign3A_1351 = arith.cmpi sgt, %jit3A_1341, %sign3A_1350 : i32
        %sign3A_1352 = arith.extui %sign3A_1351 : i1 to i32
        %sign3A_1353 = arith.constant 0 : i32
        %sign3A_1354 = arith.cmpi slt, %jit3A_1341, %sign3A_1353 : i32
        %sign3A_1355 = arith.extui %sign3A_1354 : i1 to i32
        %sign3A_1356 = arith.subi %sign3A_1352, %sign3A_1355 : i32
        %ne3A_1357 = arith.cmpi ne, %sign3A_1349, %sign3A_1356 : i32
        %rem3A_1358 = arith.remsi %squeeze3A_1340, %jit3A_1341 : i32
        %ne3A_1359 = arith.constant 0 : i32
        %ne3A_1360 = arith.cmpi ne, %rem3A_1358, %ne3A_1359 : i32
        %and3A_1361 = arith.andi %ne3A_1357, %ne3A_1360 : i1
        %sub3A_1362 = arith.constant 1 : i32
        %sub3A_1363 = arith.subi %div3A_1342, %sub3A_1362 : i32
        %select_n3A_1364 = arith.select %and3A_1361, %sub3A_1363, %div3A_1342 : i32
        %mul3A_1365 = arith.constant 128 : i32
        %mul3A_1366 = arith.muli %select_n3A_1364, %mul3A_1365 : i32
        %multiple_of3A_1367 = tpu.assume_multiple %mul3A_1366, 128 : i32
        %dma_start3A_1368 = arith.constant 7 : i32
        %dma_start3A_1369 = arith.constant 0 : i32
        %dma_start3A_1370 = arith.constant 0 : i32
        %dma_start3A_1371 = tpu.memref_slice %arg6[%rem3A_1044, %dma_start3A_1368, %dma_start3A_1369, %dma_start3A_1370] : memref<3x8x32x128xf32, #tpu.memory_space<vmem>> -> memref<1x1x32x128xf32, #tpu.memory_space<vmem>>
        %dma_start3A_1372 = tpu.memref_squeeze %dma_start3A_1371 : memref<1x1x32x128xf32, #tpu.memory_space<vmem>> -> memref<32x128xf32, #tpu.memory_space<vmem>>
        %dma_start3A_1373 = arith.constant 0 : i32
        %dma_start3A_1374 = tpu.memref_slice %arg3[%dma_start3A_1373, %multiple_of3A_1367] : memref<32x1000000xf32, #tpu.memory_space<hbm>> -> memref<32x128xf32, #tpu.memory_space<hbm>>
        %dma_start3A_1375 = arith.constant 0 : i32
        %dma_start3A_1376 = arith.constant 0 : i32
        %dma_start3A_1377 = tpu.memref_slice %arg6[%rem3A_1044, %dma_start3A_1368, %dma_start3A_1375, %dma_start3A_1376] : memref<3x8x32x128xf32, #tpu.memory_space<vmem>> -> memref<1x1x32x128xf32, #tpu.memory_space<vmem>>
        %dma_start3A_1378 = tpu.memref_squeeze %dma_start3A_1377 : memref<1x1x32x128xf32, #tpu.memory_space<vmem>> -> memref<32x128xf32, #tpu.memory_space<vmem>>
        %dma_start3A_1379 = arith.constant 0 : i32
        %dma_start3A_1380 = tpu.memref_slice %arg3[%dma_start3A_1379, %multiple_of3A_1367] : memref<32x1000000xf32, #tpu.memory_space<hbm>> -> memref<32x128xf32, #tpu.memory_space<hbm>>
        tpu.enqueue_dma source(%dma_start3A_1380 : memref<32x128xf32, #tpu.memory_space<hbm>>) target(%dma_start3A_1378 : memref<32x128xf32, #tpu.memory_space<vmem>>) target_semaphore(%arg8 : memref<!tpu.dma_semaphore, #tpu.memory_space<semaphore_mem>>)
      } else {
      }
      %dma_wait3A = arith.constant 0 : i32
      %dma_wait3A_700 = arith.constant 0 : i32
      %dma_wait3A_701 = arith.constant 0 : i32
      %dma_wait3A_702 = tpu.memref_slice %arg6[%rem3A_691, %dma_wait3A, %dma_wait3A_700, %dma_wait3A_701] : memref<3x8x32x128xf32, #tpu.memory_space<vmem>> -> memref<1x1x32x128xf32, #tpu.memory_space<vmem>>
      %dma_wait3A_703 = tpu.memref_squeeze %dma_wait3A_702 : memref<1x1x32x128xf32, #tpu.memory_space<vmem>> -> memref<32x128xf32, #tpu.memory_space<vmem>>
      %dma_wait3A_704 = arith.constant 0 : i32
      %dma_wait3A_705 = arith.constant 0 : i32
      %dma_wait3A_706 = tpu.memref_slice %arg3[%dma_wait3A_704, %dma_wait3A_705] : memref<32x1000000xf32, #tpu.memory_space<hbm>> -> memref<32x128xf32, #tpu.memory_space<hbm>>
      %dma_wait3A_707 = arith.constant 0 : i32
      %dma_wait3A_708 = arith.constant 0 : i32
      %dma_wait3A_709 = tpu.memref_slice %arg6[%rem3A_691, %dma_wait3A, %dma_wait3A_707, %dma_wait3A_708] : memref<3x8x32x128xf32, #tpu.memory_space<vmem>> -> memref<1x1x32x128xf32, #tpu.memory_space<vmem>>
      %dma_wait3A_710 = tpu.memref_squeeze %dma_wait3A_709 : memref<1x1x32x128xf32, #tpu.memory_space<vmem>> -> memref<32x128xf32, #tpu.memory_space<vmem>>
      %dma_wait3A_711 = arith.constant 0 : i32
      %dma_wait3A_712 = arith.constant 0 : i32
      %dma_wait3A_713 = tpu.memref_slice %arg3[%dma_wait3A_711, %dma_wait3A_712] : memref<32x1000000xf32, #tpu.memory_space<hbm>> -> memref<32x128xf32, #tpu.memory_space<hbm>>
      tpu.wait_dma2 semaphore(%arg8 : memref<!tpu.dma_semaphore, #tpu.memory_space<semaphore_mem>>) src(%dma_wait3A_713 : memref<32x128xf32, #tpu.memory_space<hbm>>) dst(%dma_wait3A_710 : memref<32x128xf32, #tpu.memory_space<vmem>>)
      %dma_wait3A_714 = arith.constant 1 : i32
      %dma_wait3A_715 = arith.constant 0 : i32
      %dma_wait3A_716 = arith.constant 0 : i32
      %dma_wait3A_717 = tpu.memref_slice %arg6[%rem3A_691, %dma_wait3A_714, %dma_wait3A_715, %dma_wait3A_716] : memref<3x8x32x128xf32, #tpu.memory_space<vmem>> -> memref<1x1x32x128xf32, #tpu.memory_space<vmem>>
      %dma_wait3A_718 = tpu.memref_squeeze %dma_wait3A_717 : memref<1x1x32x128xf32, #tpu.memory_space<vmem>> -> memref<32x128xf32, #tpu.memory_space<vmem>>
      %dma_wait3A_719 = arith.constant 0 : i32
      %dma_wait3A_720 = arith.constant 0 : i32
      %dma_wait3A_721 = tpu.memref_slice %arg3[%dma_wait3A_719, %dma_wait3A_720] : memref<32x1000000xf32, #tpu.memory_space<hbm>> -> memref<32x128xf32, #tpu.memory_space<hbm>>
      %dma_wait3A_722 = arith.constant 0 : i32
      %dma_wait3A_723 = arith.constant 0 : i32
      %dma_wait3A_724 = tpu.memref_slice %arg6[%rem3A_691, %dma_wait3A_714, %dma_wait3A_722, %dma_wait3A_723] : memref<3x8x32x128xf32, #tpu.memory_space<vmem>> -> memref<1x1x32x128xf32, #tpu.memory_space<vmem>>
      %dma_wait3A_725 = tpu.memref_squeeze %dma_wait3A_724 : memref<1x1x32x128xf32, #tpu.memory_space<vmem>> -> memref<32x128xf32, #tpu.memory_space<vmem>>
      %dma_wait3A_726 = arith.constant 0 : i32
      %dma_wait3A_727 = arith.constant 0 : i32
      %dma_wait3A_728 = tpu.memref_slice %arg3[%dma_wait3A_726, %dma_wait3A_727] : memref<32x1000000xf32, #tpu.memory_space<hbm>> -> memref<32x128xf32, #tpu.memory_space<hbm>>
      tpu.wait_dma2 semaphore(%arg8 : memref<!tpu.dma_semaphore, #tpu.memory_space<semaphore_mem>>) src(%dma_wait3A_728 : memref<32x128xf32, #tpu.memory_space<hbm>>) dst(%dma_wait3A_725 : memref<32x128xf32, #tpu.memory_space<vmem>>)
      %dma_wait3A_729 = arith.constant 2 : i32
      %dma_wait3A_730 = arith.constant 0 : i32
      %dma_wait3A_731 = arith.constant 0 : i32
      %dma_wait3A_732 = tpu.memref_slice %arg6[%rem3A_691, %dma_wait3A_729, %dma_wait3A_730, %dma_wait3A_731] : memref<3x8x32x128xf32, #tpu.memory_space<vmem>> -> memref<1x1x32x128xf32, #tpu.memory_space<vmem>>
      %dma_wait3A_733 = tpu.memref_squeeze %dma_wait3A_732 : memref<1x1x32x128xf32, #tpu.memory_space<vmem>> -> memref<32x128xf32, #tpu.memory_space<vmem>>
      %dma_wait3A_734 = arith.constant 0 : i32
      %dma_wait3A_735 = arith.constant 0 : i32
      %dma_wait3A_736 = tpu.memref_slice %arg3[%dma_wait3A_734, %dma_wait3A_735] : memref<32x1000000xf32, #tpu.memory_space<hbm>> -> memref<32x128xf32, #tpu.memory_space<hbm>>
      %dma_wait3A_737 = arith.constant 0 : i32
      %dma_wait3A_738 = arith.constant 0 : i32
      %dma_wait3A_739 = tpu.memref_slice %arg6[%rem3A_691, %dma_wait3A_729, %dma_wait3A_737, %dma_wait3A_738] : memref<3x8x32x128xf32, #tpu.memory_space<vmem>> -> memref<1x1x32x128xf32, #tpu.memory_space<vmem>>
      %dma_wait3A_740 = tpu.memref_squeeze %dma_wait3A_739 : memref<1x1x32x128xf32, #tpu.memory_space<vmem>> -> memref<32x128xf32, #tpu.memory_space<vmem>>
      %dma_wait3A_741 = arith.constant 0 : i32
      %dma_wait3A_742 = arith.constant 0 : i32
      %dma_wait3A_743 = tpu.memref_slice %arg3[%dma_wait3A_741, %dma_wait3A_742] : memref<32x1000000xf32, #tpu.memory_space<hbm>> -> memref<32x128xf32, #tpu.memory_space<hbm>>
      tpu.wait_dma2 semaphore(%arg8 : memref<!tpu.dma_semaphore, #tpu.memory_space<semaphore_mem>>) src(%dma_wait3A_743 : memref<32x128xf32, #tpu.memory_space<hbm>>) dst(%dma_wait3A_740 : memref<32x128xf32, #tpu.memory_space<vmem>>)
      %dma_wait3A_744 = arith.constant 3 : i32
      %dma_wait3A_745 = arith.constant 0 : i32
      %dma_wait3A_746 = arith.constant 0 : i32
      %dma_wait3A_747 = tpu.memref_slice %arg6[%rem3A_691, %dma_wait3A_744, %dma_wait3A_745, %dma_wait3A_746] : memref<3x8x32x128xf32, #tpu.memory_space<vmem>> -> memref<1x1x32x128xf32, #tpu.memory_space<vmem>>
      %dma_wait3A_748 = tpu.memref_squeeze %dma_wait3A_747 : memref<1x1x32x128xf32, #tpu.memory_space<vmem>> -> memref<32x128xf32, #tpu.memory_space<vmem>>
      %dma_wait3A_749 = arith.constant 0 : i32
      %dma_wait3A_750 = arith.constant 0 : i32
      %dma_wait3A_751 = tpu.memref_slice %arg3[%dma_wait3A_749, %dma_wait3A_750] : memref<32x1000000xf32, #tpu.memory_space<hbm>> -> memref<32x128xf32, #tpu.memory_space<hbm>>
      %dma_wait3A_752 = arith.constant 0 : i32
      %dma_wait3A_753 = arith.constant 0 : i32
      %dma_wait3A_754 = tpu.memref_slice %arg6[%rem3A_691, %dma_wait3A_744, %dma_wait3A_752, %dma_wait3A_753] : memref<3x8x32x128xf32, #tpu.memory_space<vmem>> -> memref<1x1x32x128xf32, #tpu.memory_space<vmem>>
      %dma_wait3A_755 = tpu.memref_squeeze %dma_wait3A_754 : memref<1x1x32x128xf32, #tpu.memory_space<vmem>> -> memref<32x128xf32, #tpu.memory_space<vmem>>
      %dma_wait3A_756 = arith.constant 0 : i32
      %dma_wait3A_757 = arith.constant 0 : i32
      %dma_wait3A_758 = tpu.memref_slice %arg3[%dma_wait3A_756, %dma_wait3A_757] : memref<32x1000000xf32, #tpu.memory_space<hbm>> -> memref<32x128xf32, #tpu.memory_space<hbm>>
      tpu.wait_dma2 semaphore(%arg8 : memref<!tpu.dma_semaphore, #tpu.memory_space<semaphore_mem>>) src(%dma_wait3A_758 : memref<32x128xf32, #tpu.memory_space<hbm>>) dst(%dma_wait3A_755 : memref<32x128xf32, #tpu.memory_space<vmem>>)
      %dma_wait3A_759 = arith.constant 4 : i32
      %dma_wait3A_760 = arith.constant 0 : i32
      %dma_wait3A_761 = arith.constant 0 : i32
      %dma_wait3A_762 = tpu.memref_slice %arg6[%rem3A_691, %dma_wait3A_759, %dma_wait3A_760, %dma_wait3A_761] : memref<3x8x32x128xf32, #tpu.memory_space<vmem>> -> memref<1x1x32x128xf32, #tpu.memory_space<vmem>>
      %dma_wait3A_763 = tpu.memref_squeeze %dma_wait3A_762 : memref<1x1x32x128xf32, #tpu.memory_space<vmem>> -> memref<32x128xf32, #tpu.memory_space<vmem>>
      %dma_wait3A_764 = arith.constant 0 : i32
      %dma_wait3A_765 = arith.constant 0 : i32
      %dma_wait3A_766 = tpu.memref_slice %arg3[%dma_wait3A_764, %dma_wait3A_765] : memref<32x1000000xf32, #tpu.memory_space<hbm>> -> memref<32x128xf32, #tpu.memory_space<hbm>>
      %dma_wait3A_767 = arith.constant 0 : i32
      %dma_wait3A_768 = arith.constant 0 : i32
      %dma_wait3A_769 = tpu.memref_slice %arg6[%rem3A_691, %dma_wait3A_759, %dma_wait3A_767, %dma_wait3A_768] : memref<3x8x32x128xf32, #tpu.memory_space<vmem>> -> memref<1x1x32x128xf32, #tpu.memory_space<vmem>>
      %dma_wait3A_770 = tpu.memref_squeeze %dma_wait3A_769 : memref<1x1x32x128xf32, #tpu.memory_space<vmem>> -> memref<32x128xf32, #tpu.memory_space<vmem>>
      %dma_wait3A_771 = arith.constant 0 : i32
      %dma_wait3A_772 = arith.constant 0 : i32
      %dma_wait3A_773 = tpu.memref_slice %arg3[%dma_wait3A_771, %dma_wait3A_772] : memref<32x1000000xf32, #tpu.memory_space<hbm>> -> memref<32x128xf32, #tpu.memory_space<hbm>>
      tpu.wait_dma2 semaphore(%arg8 : memref<!tpu.dma_semaphore, #tpu.memory_space<semaphore_mem>>) src(%dma_wait3A_773 : memref<32x128xf32, #tpu.memory_space<hbm>>) dst(%dma_wait3A_770 : memref<32x128xf32, #tpu.memory_space<vmem>>)
      %dma_wait3A_774 = arith.constant 5 : i32
      %dma_wait3A_775 = arith.constant 0 : i32
      %dma_wait3A_776 = arith.constant 0 : i32
      %dma_wait3A_777 = tpu.memref_slice %arg6[%rem3A_691, %dma_wait3A_774, %dma_wait3A_775, %dma_wait3A_776] : memref<3x8x32x128xf32, #tpu.memory_space<vmem>> -> memref<1x1x32x128xf32, #tpu.memory_space<vmem>>
      %dma_wait3A_778 = tpu.memref_squeeze %dma_wait3A_777 : memref<1x1x32x128xf32, #tpu.memory_space<vmem>> -> memref<32x128xf32, #tpu.memory_space<vmem>>
      %dma_wait3A_779 = arith.constant 0 : i32
      %dma_wait3A_780 = arith.constant 0 : i32
      %dma_wait3A_781 = tpu.memref_slice %arg3[%dma_wait3A_779, %dma_wait3A_780] : memref<32x1000000xf32, #tpu.memory_space<hbm>> -> memref<32x128xf32, #tpu.memory_space<hbm>>
      %dma_wait3A_782 = arith.constant 0 : i32
      %dma_wait3A_783 = arith.constant 0 : i32
      %dma_wait3A_784 = tpu.memref_slice %arg6[%rem3A_691, %dma_wait3A_774, %dma_wait3A_782, %dma_wait3A_783] : memref<3x8x32x128xf32, #tpu.memory_space<vmem>> -> memref<1x1x32x128xf32, #tpu.memory_space<vmem>>
      %dma_wait3A_785 = tpu.memref_squeeze %dma_wait3A_784 : memref<1x1x32x128xf32, #tpu.memory_space<vmem>> -> memref<32x128xf32, #tpu.memory_space<vmem>>
      %dma_wait3A_786 = arith.constant 0 : i32
      %dma_wait3A_787 = arith.constant 0 : i32
      %dma_wait3A_788 = tpu.memref_slice %arg3[%dma_wait3A_786, %dma_wait3A_787] : memref<32x1000000xf32, #tpu.memory_space<hbm>> -> memref<32x128xf32, #tpu.memory_space<hbm>>
      tpu.wait_dma2 semaphore(%arg8 : memref<!tpu.dma_semaphore, #tpu.memory_space<semaphore_mem>>) src(%dma_wait3A_788 : memref<32x128xf32, #tpu.memory_space<hbm>>) dst(%dma_wait3A_785 : memref<32x128xf32, #tpu.memory_space<vmem>>)
      %dma_wait3A_789 = arith.constant 6 : i32
      %dma_wait3A_790 = arith.constant 0 : i32
      %dma_wait3A_791 = arith.constant 0 : i32
      %dma_wait3A_792 = tpu.memref_slice %arg6[%rem3A_691, %dma_wait3A_789, %dma_wait3A_790, %dma_wait3A_791] : memref<3x8x32x128xf32, #tpu.memory_space<vmem>> -> memref<1x1x32x128xf32, #tpu.memory_space<vmem>>
      %dma_wait3A_793 = tpu.memref_squeeze %dma_wait3A_792 : memref<1x1x32x128xf32, #tpu.memory_space<vmem>> -> memref<32x128xf32, #tpu.memory_space<vmem>>
      %dma_wait3A_794 = arith.constant 0 : i32
      %dma_wait3A_795 = arith.constant 0 : i32
      %dma_wait3A_796 = tpu.memref_slice %arg3[%dma_wait3A_794, %dma_wait3A_795] : memref<32x1000000xf32, #tpu.memory_space<hbm>> -> memref<32x128xf32, #tpu.memory_space<hbm>>
      %dma_wait3A_797 = arith.constant 0 : i32
      %dma_wait3A_798 = arith.constant 0 : i32
      %dma_wait3A_799 = tpu.memref_slice %arg6[%rem3A_691, %dma_wait3A_789, %dma_wait3A_797, %dma_wait3A_798] : memref<3x8x32x128xf32, #tpu.memory_space<vmem>> -> memref<1x1x32x128xf32, #tpu.memory_space<vmem>>
      %dma_wait3A_800 = tpu.memref_squeeze %dma_wait3A_799 : memref<1x1x32x128xf32, #tpu.memory_space<vmem>> -> memref<32x128xf32, #tpu.memory_space<vmem>>
      %dma_wait3A_801 = arith.constant 0 : i32
      %dma_wait3A_802 = arith.constant 0 : i32
      %dma_wait3A_803 = tpu.memref_slice %arg3[%dma_wait3A_801, %dma_wait3A_802] : memref<32x1000000xf32, #tpu.memory_space<hbm>> -> memref<32x128xf32, #tpu.memory_space<hbm>>
      tpu.wait_dma2 semaphore(%arg8 : memref<!tpu.dma_semaphore, #tpu.memory_space<semaphore_mem>>) src(%dma_wait3A_803 : memref<32x128xf32, #tpu.memory_space<hbm>>) dst(%dma_wait3A_800 : memref<32x128xf32, #tpu.memory_space<vmem>>)
      %dma_wait3A_804 = arith.constant 7 : i32
      %dma_wait3A_805 = arith.constant 0 : i32
      %dma_wait3A_806 = arith.constant 0 : i32
      %dma_wait3A_807 = tpu.memref_slice %arg6[%rem3A_691, %dma_wait3A_804, %dma_wait3A_805, %dma_wait3A_806] : memref<3x8x32x128xf32, #tpu.memory_space<vmem>> -> memref<1x1x32x128xf32, #tpu.memory_space<vmem>>
      %dma_wait3A_808 = tpu.memref_squeeze %dma_wait3A_807 : memref<1x1x32x128xf32, #tpu.memory_space<vmem>> -> memref<32x128xf32, #tpu.memory_space<vmem>>
      %dma_wait3A_809 = arith.constant 0 : i32
      %dma_wait3A_810 = arith.constant 0 : i32
      %dma_wait3A_811 = tpu.memref_slice %arg3[%dma_wait3A_809, %dma_wait3A_810] : memref<32x1000000xf32, #tpu.memory_space<hbm>> -> memref<32x128xf32, #tpu.memory_space<hbm>>
      %dma_wait3A_812 = arith.constant 0 : i32
      %dma_wait3A_813 = arith.constant 0 : i32
      %dma_wait3A_814 = tpu.memref_slice %arg6[%rem3A_691, %dma_wait3A_804, %dma_wait3A_812, %dma_wait3A_813] : memref<3x8x32x128xf32, #tpu.memory_space<vmem>> -> memref<1x1x32x128xf32, #tpu.memory_space<vmem>>
      %dma_wait3A_815 = tpu.memref_squeeze %dma_wait3A_814 : memref<1x1x32x128xf32, #tpu.memory_space<vmem>> -> memref<32x128xf32, #tpu.memory_space<vmem>>
      %dma_wait3A_816 = arith.constant 0 : i32
      %dma_wait3A_817 = arith.constant 0 : i32
      %dma_wait3A_818 = tpu.memref_slice %arg3[%dma_wait3A_816, %dma_wait3A_817] : memref<32x1000000xf32, #tpu.memory_space<hbm>> -> memref<32x128xf32, #tpu.memory_space<hbm>>
      tpu.wait_dma2 semaphore(%arg8 : memref<!tpu.dma_semaphore, #tpu.memory_space<semaphore_mem>>) src(%dma_wait3A_818 : memref<32x128xf32, #tpu.memory_space<hbm>>) dst(%dma_wait3A_815 : memref<32x128xf32, #tpu.memory_space<vmem>>)
      %slice3A_819 = vector.extract_strided_slice %scan3A_688 {offsets = [0], sizes = [1], strides = [1]} : vector<16xi32> to vector<1xi32>
      %squeeze3A_820 = vector.extract %slice3A_819[0] : i32 from vector<1xi32>
      %rem3A_821 = arith.constant 128 : i32
      %rem3A_822 = arith.remsi %squeeze3A_820, %rem3A_821 : i32
      %broadcast_in_dim3A = vector.broadcast %rem3A_822 : i32 to vector<16xi32>
      %mul3A_823 = arith.constant 8 : i32
      %mul3A_824 = arith.muli %scan3A_687, %mul3A_823 : i32
      %add3A_825 = arith.constant 0 : i32
      %add3A_826 = arith.addi %mul3A_824, %add3A_825 : i32
      %broadcast_in_dim3A_827 = vector.broadcast %add3A_826 : i32 to vector<16xi32>
      %add3A_828 = arith.constant 0 : i32
      %add3A_829 = vector.broadcast %add3A_828 : i32 to vector<16xi32>
      %add3A_830 = arith.addi %iota3A, %add3A_829 : vector<16xi32>
      %gather3A = arith.constant 0 : i32
      %gather3A_831 = arith.constant 0 : i32
      %gather3A_832 = arith.constant 0 : i32
      %gather3A_833 = tpu.memref_slice %arg6[%rem3A_691, %gather3A, %gather3A_831, %gather3A_832] : memref<3x8x32x128xf32, #tpu.memory_space<vmem>> -> memref<1x1x32x128xf32, #tpu.memory_space<vmem>>
      %gather3A_834 = tpu.memref_squeeze %gather3A_833 : memref<1x1x32x128xf32, #tpu.memory_space<vmem>> -> memref<32x128xf32, #tpu.memory_space<vmem>>
      %gather3A_835 = tpu.vector_load_idx %gather3A_834[%add3A_830, %broadcast_in_dim3A] : memref<32x128xf32, #tpu.memory_space<vmem>>[vector<16xi32>, vector<16xi32>], vector<16xf32>,
      tpu.vector_store_idx %arg7[%add3A_830, %broadcast_in_dim3A_827], %gather3A_835 : memref<32x512xf32, #tpu.memory_space<vmem>>[vector<16xi32>, vector<16xi32>], vector<16xf32>,
      %add3A_836 = arith.constant 16 : i32
      %add3A_837 = vector.broadcast %add3A_836 : i32 to vector<16xi32>
      %add3A_838 = arith.addi %iota3A, %add3A_837 : vector<16xi32>
      %gather3A_839 = arith.constant 0 : i32
      %gather3A_840 = arith.constant 0 : i32
      %gather3A_841 = arith.constant 0 : i32
      %gather3A_842 = tpu.memref_slice %arg6[%rem3A_691, %gather3A_839, %gather3A_840, %gather3A_841] : memref<3x8x32x128xf32, #tpu.memory_space<vmem>> -> memref<1x1x32x128xf32, #tpu.memory_space<vmem>>
      %gather3A_843 = tpu.memref_squeeze %gather3A_842 : memref<1x1x32x128xf32, #tpu.memory_space<vmem>> -> memref<32x128xf32, #tpu.memory_space<vmem>>
      %gather3A_844 = tpu.vector_load_idx %gather3A_843[%add3A_838, %broadcast_in_dim3A] : memref<32x128xf32, #tpu.memory_space<vmem>>[vector<16xi32>, vector<16xi32>], vector<16xf32>,
      tpu.vector_store_idx %arg7[%add3A_838, %broadcast_in_dim3A_827], %gather3A_844 : memref<32x512xf32, #tpu.memory_space<vmem>>[vector<16xi32>, vector<16xi32>], vector<16xf32>,
      %slice3A_845 = vector.extract_strided_slice %scan3A_688 {offsets = [1], sizes = [1], strides = [1]} : vector<16xi32> to vector<1xi32>
      %squeeze3A_846 = vector.extract %slice3A_845[0] : i32 from vector<1xi32>
      %rem3A_847 = arith.constant 128 : i32
      %rem3A_848 = arith.remsi %squeeze3A_846, %rem3A_847 : i32
      %broadcast_in_dim3A_849 = vector.broadcast %rem3A_848 : i32 to vector<16xi32>
      %mul3A_850 = arith.constant 8 : i32
      %mul3A_851 = arith.muli %scan3A_687, %mul3A_850 : i32
      %add3A_852 = arith.constant 1 : i32
      %add3A_853 = arith.addi %mul3A_851, %add3A_852 : i32
      %broadcast_in_dim3A_854 = vector.broadcast %add3A_853 : i32 to vector<16xi32>
      %add3A_855 = arith.constant 0 : i32
      %add3A_856 = vector.broadcast %add3A_855 : i32 to vector<16xi32>
      %add3A_857 = arith.addi %iota3A, %add3A_856 : vector<16xi32>
      %gather3A_858 = arith.constant 1 : i32
      %gather3A_859 = arith.constant 0 : i32
      %gather3A_860 = arith.constant 0 : i32
      %gather3A_861 = tpu.memref_slice %arg6[%rem3A_691, %gather3A_858, %gather3A_859, %gather3A_860] : memref<3x8x32x128xf32, #tpu.memory_space<vmem>> -> memref<1x1x32x128xf32, #tpu.memory_space<vmem>>
      %gather3A_862 = tpu.memref_squeeze %gather3A_861 : memref<1x1x32x128xf32, #tpu.memory_space<vmem>> -> memref<32x128xf32, #tpu.memory_space<vmem>>
      %gather3A_863 = tpu.vector_load_idx %gather3A_862[%add3A_857, %broadcast_in_dim3A_849] : memref<32x128xf32, #tpu.memory_space<vmem>>[vector<16xi32>, vector<16xi32>], vector<16xf32>,
      tpu.vector_store_idx %arg7[%add3A_857, %broadcast_in_dim3A_854], %gather3A_863 : memref<32x512xf32, #tpu.memory_space<vmem>>[vector<16xi32>, vector<16xi32>], vector<16xf32>,
      %add3A_864 = arith.constant 16 : i32
      %add3A_865 = vector.broadcast %add3A_864 : i32 to vector<16xi32>
      %add3A_866 = arith.addi %iota3A, %add3A_865 : vector<16xi32>
      %gather3A_867 = arith.constant 1 : i32
      %gather3A_868 = arith.constant 0 : i32
      %gather3A_869 = arith.constant 0 : i32
      %gather3A_870 = tpu.memref_slice %arg6[%rem3A_691, %gather3A_867, %gather3A_868, %gather3A_869] : memref<3x8x32x128xf32, #tpu.memory_space<vmem>> -> memref<1x1x32x128xf32, #tpu.memory_space<vmem>>
      %gather3A_871 = tpu.memref_squeeze %gather3A_870 : memref<1x1x32x128xf32, #tpu.memory_space<vmem>> -> memref<32x128xf32, #tpu.memory_space<vmem>>
      %gather3A_872 = tpu.vector_load_idx %gather3A_871[%add3A_866, %broadcast_in_dim3A_849] : memref<32x128xf32, #tpu.memory_space<vmem>>[vector<16xi32>, vector<16xi32>], vector<16xf32>,
      tpu.vector_store_idx %arg7[%add3A_866, %broadcast_in_dim3A_854], %gather3A_872 : memref<32x512xf32, #tpu.memory_space<vmem>>[vector<16xi32>, vector<16xi32>], vector<16xf32>,
      %slice3A_873 = vector.extract_strided_slice %scan3A_688 {offsets = [2], sizes = [1], strides = [1]} : vector<16xi32> to vector<1xi32>
      %squeeze3A_874 = vector.extract %slice3A_873[0] : i32 from vector<1xi32>
      %rem3A_875 = arith.constant 128 : i32
      %rem3A_876 = arith.remsi %squeeze3A_874, %rem3A_875 : i32
      %broadcast_in_dim3A_877 = vector.broadcast %rem3A_876 : i32 to vector<16xi32>
      %mul3A_878 = arith.constant 8 : i32
      %mul3A_879 = arith.muli %scan3A_687, %mul3A_878 : i32
      %add3A_880 = arith.constant 2 : i32
      %add3A_881 = arith.addi %mul3A_879, %add3A_880 : i32
      %broadcast_in_dim3A_882 = vector.broadcast %add3A_881 : i32 to vector<16xi32>
      %add3A_883 = arith.constant 0 : i32
      %add3A_884 = vector.broadcast %add3A_883 : i32 to vector<16xi32>
      %add3A_885 = arith.addi %iota3A, %add3A_884 : vector<16xi32>
      %gather3A_886 = arith.constant 2 : i32
      %gather3A_887 = arith.constant 0 : i32
      %gather3A_888 = arith.constant 0 : i32
      %gather3A_889 = tpu.memref_slice %arg6[%rem3A_691, %gather3A_886, %gather3A_887, %gather3A_888] : memref<3x8x32x128xf32, #tpu.memory_space<vmem>> -> memref<1x1x32x128xf32, #tpu.memory_space<vmem>>
      %gather3A_890 = tpu.memref_squeeze %gather3A_889 : memref<1x1x32x128xf32, #tpu.memory_space<vmem>> -> memref<32x128xf32, #tpu.memory_space<vmem>>
      %gather3A_891 = tpu.vector_load_idx %gather3A_890[%add3A_885, %broadcast_in_dim3A_877] : memref<32x128xf32, #tpu.memory_space<vmem>>[vector<16xi32>, vector<16xi32>], vector<16xf32>,
      tpu.vector_store_idx %arg7[%add3A_885, %broadcast_in_dim3A_882], %gather3A_891 : memref<32x512xf32, #tpu.memory_space<vmem>>[vector<16xi32>, vector<16xi32>], vector<16xf32>,
      %add3A_892 = arith.constant 16 : i32
      %add3A_893 = vector.broadcast %add3A_892 : i32 to vector<16xi32>
      %add3A_894 = arith.addi %iota3A, %add3A_893 : vector<16xi32>
      %gather3A_895 = arith.constant 2 : i32
      %gather3A_896 = arith.constant 0 : i32
      %gather3A_897 = arith.constant 0 : i32
      %gather3A_898 = tpu.memref_slice %arg6[%rem3A_691, %gather3A_895, %gather3A_896, %gather3A_897] : memref<3x8x32x128xf32, #tpu.memory_space<vmem>> -> memref<1x1x32x128xf32, #tpu.memory_space<vmem>>
      %gather3A_899 = tpu.memref_squeeze %gather3A_898 : memref<1x1x32x128xf32, #tpu.memory_space<vmem>> -> memref<32x128xf32, #tpu.memory_space<vmem>>
      %gather3A_900 = tpu.vector_load_idx %gather3A_899[%add3A_894, %broadcast_in_dim3A_877] : memref<32x128xf32, #tpu.memory_space<vmem>>[vector<16xi32>, vector<16xi32>], vector<16xf32>,
      tpu.vector_store_idx %arg7[%add3A_894, %broadcast_in_dim3A_882], %gather3A_900 : memref<32x512xf32, #tpu.memory_space<vmem>>[vector<16xi32>, vector<16xi32>], vector<16xf32>,
      %slice3A_901 = vector.extract_strided_slice %scan3A_688 {offsets = [3], sizes = [1], strides = [1]} : vector<16xi32> to vector<1xi32>
      %squeeze3A_902 = vector.extract %slice3A_901[0] : i32 from vector<1xi32>
      %rem3A_903 = arith.constant 128 : i32
      %rem3A_904 = arith.remsi %squeeze3A_902, %rem3A_903 : i32
      %broadcast_in_dim3A_905 = vector.broadcast %rem3A_904 : i32 to vector<16xi32>
      %mul3A_906 = arith.constant 8 : i32
      %mul3A_907 = arith.muli %scan3A_687, %mul3A_906 : i32
      %add3A_908 = arith.constant 3 : i32
      %add3A_909 = arith.addi %mul3A_907, %add3A_908 : i32
      %broadcast_in_dim3A_910 = vector.broadcast %add3A_909 : i32 to vector<16xi32>
      %add3A_911 = arith.constant 0 : i32
      %add3A_912 = vector.broadcast %add3A_911 : i32 to vector<16xi32>
      %add3A_913 = arith.addi %iota3A, %add3A_912 : vector<16xi32>
      %gather3A_914 = arith.constant 3 : i32
      %gather3A_915 = arith.constant 0 : i32
      %gather3A_916 = arith.constant 0 : i32
      %gather3A_917 = tpu.memref_slice %arg6[%rem3A_691, %gather3A_914, %gather3A_915, %gather3A_916] : memref<3x8x32x128xf32, #tpu.memory_space<vmem>> -> memref<1x1x32x128xf32, #tpu.memory_space<vmem>>
      %gather3A_918 = tpu.memref_squeeze %gather3A_917 : memref<1x1x32x128xf32, #tpu.memory_space<vmem>> -> memref<32x128xf32, #tpu.memory_space<vmem>>
      %gather3A_919 = tpu.vector_load_idx %gather3A_918[%add3A_913, %broadcast_in_dim3A_905] : memref<32x128xf32, #tpu.memory_space<vmem>>[vector<16xi32>, vector<16xi32>], vector<16xf32>,
      tpu.vector_store_idx %arg7[%add3A_913, %broadcast_in_dim3A_910], %gather3A_919 : memref<32x512xf32, #tpu.memory_space<vmem>>[vector<16xi32>, vector<16xi32>], vector<16xf32>,
      %add3A_920 = arith.constant 16 : i32
      %add3A_921 = vector.broadcast %add3A_920 : i32 to vector<16xi32>
      %add3A_922 = arith.addi %iota3A, %add3A_921 : vector<16xi32>
      %gather3A_923 = arith.constant 3 : i32
      %gather3A_924 = arith.constant 0 : i32
      %gather3A_925 = arith.constant 0 : i32
      %gather3A_926 = tpu.memref_slice %arg6[%rem3A_691, %gather3A_923, %gather3A_924, %gather3A_925] : memref<3x8x32x128xf32, #tpu.memory_space<vmem>> -> memref<1x1x32x128xf32, #tpu.memory_space<vmem>>
      %gather3A_927 = tpu.memref_squeeze %gather3A_926 : memref<1x1x32x128xf32, #tpu.memory_space<vmem>> -> memref<32x128xf32, #tpu.memory_space<vmem>>
      %gather3A_928 = tpu.vector_load_idx %gather3A_927[%add3A_922, %broadcast_in_dim3A_905] : memref<32x128xf32, #tpu.memory_space<vmem>>[vector<16xi32>, vector<16xi32>], vector<16xf32>,
      tpu.vector_store_idx %arg7[%add3A_922, %broadcast_in_dim3A_910], %gather3A_928 : memref<32x512xf32, #tpu.memory_space<vmem>>[vector<16xi32>, vector<16xi32>], vector<16xf32>,
      %slice3A_929 = vector.extract_strided_slice %scan3A_688 {offsets = [4], sizes = [1], strides = [1]} : vector<16xi32> to vector<1xi32>
      %squeeze3A_930 = vector.extract %slice3A_929[0] : i32 from vector<1xi32>
      %rem3A_931 = arith.constant 128 : i32
      %rem3A_932 = arith.remsi %squeeze3A_930, %rem3A_931 : i32
      %broadcast_in_dim3A_933 = vector.broadcast %rem3A_932 : i32 to vector<16xi32>
      %mul3A_934 = arith.constant 8 : i32
      %mul3A_935 = arith.muli %scan3A_687, %mul3A_934 : i32
      %add3A_936 = arith.constant 4 : i32
      %add3A_937 = arith.addi %mul3A_935, %add3A_936 : i32
      %broadcast_in_dim3A_938 = vector.broadcast %add3A_937 : i32 to vector<16xi32>
      %add3A_939 = arith.constant 0 : i32
      %add3A_940 = vector.broadcast %add3A_939 : i32 to vector<16xi32>
      %add3A_941 = arith.addi %iota3A, %add3A_940 : vector<16xi32>
      %gather3A_942 = arith.constant 4 : i32
      %gather3A_943 = arith.constant 0 : i32
      %gather3A_944 = arith.constant 0 : i32
      %gather3A_945 = tpu.memref_slice %arg6[%rem3A_691, %gather3A_942, %gather3A_943, %gather3A_944] : memref<3x8x32x128xf32, #tpu.memory_space<vmem>> -> memref<1x1x32x128xf32, #tpu.memory_space<vmem>>
      %gather3A_946 = tpu.memref_squeeze %gather3A_945 : memref<1x1x32x128xf32, #tpu.memory_space<vmem>> -> memref<32x128xf32, #tpu.memory_space<vmem>>
      %gather3A_947 = tpu.vector_load_idx %gather3A_946[%add3A_941, %broadcast_in_dim3A_933] : memref<32x128xf32, #tpu.memory_space<vmem>>[vector<16xi32>, vector<16xi32>], vector<16xf32>,
      tpu.vector_store_idx %arg7[%add3A_941, %broadcast_in_dim3A_938], %gather3A_947 : memref<32x512xf32, #tpu.memory_space<vmem>>[vector<16xi32>, vector<16xi32>], vector<16xf32>,
      %add3A_948 = arith.constant 16 : i32
      %add3A_949 = vector.broadcast %add3A_948 : i32 to vector<16xi32>
      %add3A_950 = arith.addi %iota3A, %add3A_949 : vector<16xi32>
      %gather3A_951 = arith.constant 4 : i32
      %gather3A_952 = arith.constant 0 : i32
      %gather3A_953 = arith.constant 0 : i32
      %gather3A_954 = tpu.memref_slice %arg6[%rem3A_691, %gather3A_951, %gather3A_952, %gather3A_953] : memref<3x8x32x128xf32, #tpu.memory_space<vmem>> -> memref<1x1x32x128xf32, #tpu.memory_space<vmem>>
      %gather3A_955 = tpu.memref_squeeze %gather3A_954 : memref<1x1x32x128xf32, #tpu.memory_space<vmem>> -> memref<32x128xf32, #tpu.memory_space<vmem>>
      %gather3A_956 = tpu.vector_load_idx %gather3A_955[%add3A_950, %broadcast_in_dim3A_933] : memref<32x128xf32, #tpu.memory_space<vmem>>[vector<16xi32>, vector<16xi32>], vector<16xf32>,
      tpu.vector_store_idx %arg7[%add3A_950, %broadcast_in_dim3A_938], %gather3A_956 : memref<32x512xf32, #tpu.memory_space<vmem>>[vector<16xi32>, vector<16xi32>], vector<16xf32>,
      %slice3A_957 = vector.extract_strided_slice %scan3A_688 {offsets = [5], sizes = [1], strides = [1]} : vector<16xi32> to vector<1xi32>
      %squeeze3A_958 = vector.extract %slice3A_957[0] : i32 from vector<1xi32>
      %rem3A_959 = arith.constant 128 : i32
      %rem3A_960 = arith.remsi %squeeze3A_958, %rem3A_959 : i32
      %broadcast_in_dim3A_961 = vector.broadcast %rem3A_960 : i32 to vector<16xi32>
      %mul3A_962 = arith.constant 8 : i32
      %mul3A_963 = arith.muli %scan3A_687, %mul3A_962 : i32
      %add3A_964 = arith.constant 5 : i32
      %add3A_965 = arith.addi %mul3A_963, %add3A_964 : i32
      %broadcast_in_dim3A_966 = vector.broadcast %add3A_965 : i32 to vector<16xi32>
      %add3A_967 = arith.constant 0 : i32
      %add3A_968 = vector.broadcast %add3A_967 : i32 to vector<16xi32>
      %add3A_969 = arith.addi %iota3A, %add3A_968 : vector<16xi32>
      %gather3A_970 = arith.constant 5 : i32
      %gather3A_971 = arith.constant 0 : i32
      %gather3A_972 = arith.constant 0 : i32
      %gather3A_973 = tpu.memref_slice %arg6[%rem3A_691, %gather3A_970, %gather3A_971, %gather3A_972] : memref<3x8x32x128xf32, #tpu.memory_space<vmem>> -> memref<1x1x32x128xf32, #tpu.memory_space<vmem>>
      %gather3A_974 = tpu.memref_squeeze %gather3A_973 : memref<1x1x32x128xf32, #tpu.memory_space<vmem>> -> memref<32x128xf32, #tpu.memory_space<vmem>>
      %gather3A_975 = tpu.vector_load_idx %gather3A_974[%add3A_969, %broadcast_in_dim3A_961] : memref<32x128xf32, #tpu.memory_space<vmem>>[vector<16xi32>, vector<16xi32>], vector<16xf32>,
      tpu.vector_store_idx %arg7[%add3A_969, %broadcast_in_dim3A_966], %gather3A_975 : memref<32x512xf32, #tpu.memory_space<vmem>>[vector<16xi32>, vector<16xi32>], vector<16xf32>,
      %add3A_976 = arith.constant 16 : i32
      %add3A_977 = vector.broadcast %add3A_976 : i32 to vector<16xi32>
      %add3A_978 = arith.addi %iota3A, %add3A_977 : vector<16xi32>
      %gather3A_979 = arith.constant 5 : i32
      %gather3A_980 = arith.constant 0 : i32
      %gather3A_981 = arith.constant 0 : i32
      %gather3A_982 = tpu.memref_slice %arg6[%rem3A_691, %gather3A_979, %gather3A_980, %gather3A_981] : memref<3x8x32x128xf32, #tpu.memory_space<vmem>> -> memref<1x1x32x128xf32, #tpu.memory_space<vmem>>
      %gather3A_983 = tpu.memref_squeeze %gather3A_982 : memref<1x1x32x128xf32, #tpu.memory_space<vmem>> -> memref<32x128xf32, #tpu.memory_space<vmem>>
      %gather3A_984 = tpu.vector_load_idx %gather3A_983[%add3A_978, %broadcast_in_dim3A_961] : memref<32x128xf32, #tpu.memory_space<vmem>>[vector<16xi32>, vector<16xi32>], vector<16xf32>,
      tpu.vector_store_idx %arg7[%add3A_978, %broadcast_in_dim3A_966], %gather3A_984 : memref<32x512xf32, #tpu.memory_space<vmem>>[vector<16xi32>, vector<16xi32>], vector<16xf32>,
      %slice3A_985 = vector.extract_strided_slice %scan3A_688 {offsets = [6], sizes = [1], strides = [1]} : vector<16xi32> to vector<1xi32>
      %squeeze3A_986 = vector.extract %slice3A_985[0] : i32 from vector<1xi32>
      %rem3A_987 = arith.constant 128 : i32
      %rem3A_988 = arith.remsi %squeeze3A_986, %rem3A_987 : i32
      %broadcast_in_dim3A_989 = vector.broadcast %rem3A_988 : i32 to vector<16xi32>
      %mul3A_990 = arith.constant 8 : i32
      %mul3A_991 = arith.muli %scan3A_687, %mul3A_990 : i32
      %add3A_992 = arith.constant 6 : i32
      %add3A_993 = arith.addi %mul3A_991, %add3A_992 : i32
      %broadcast_in_dim3A_994 = vector.broadcast %add3A_993 : i32 to vector<16xi32>
      %add3A_995 = arith.constant 0 : i32
      %add3A_996 = vector.broadcast %add3A_995 : i32 to vector<16xi32>
      %add3A_997 = arith.addi %iota3A, %add3A_996 : vector<16xi32>
      %gather3A_998 = arith.constant 6 : i32
      %gather3A_999 = arith.constant 0 : i32
      %gather3A_1000 = arith.constant 0 : i32
      %gather3A_1001 = tpu.memref_slice %arg6[%rem3A_691, %gather3A_998, %gather3A_999, %gather3A_1000] : memref<3x8x32x128xf32, #tpu.memory_space<vmem>> -> memref<1x1x32x128xf32, #tpu.memory_space<vmem>>
      %gather3A_1002 = tpu.memref_squeeze %gather3A_1001 : memref<1x1x32x128xf32, #tpu.memory_space<vmem>> -> memref<32x128xf32, #tpu.memory_space<vmem>>
      %gather3A_1003 = tpu.vector_load_idx %gather3A_1002[%add3A_997, %broadcast_in_dim3A_989] : memref<32x128xf32, #tpu.memory_space<vmem>>[vector<16xi32>, vector<16xi32>], vector<16xf32>,
      tpu.vector_store_idx %arg7[%add3A_997, %broadcast_in_dim3A_994], %gather3A_1003 : memref<32x512xf32, #tpu.memory_space<vmem>>[vector<16xi32>, vector<16xi32>], vector<16xf32>,
      %add3A_1004 = arith.constant 16 : i32
      %add3A_1005 = vector.broadcast %add3A_1004 : i32 to vector<16xi32>
      %add3A_1006 = arith.addi %iota3A, %add3A_1005 : vector<16xi32>
      %gather3A_1007 = arith.constant 6 : i32
      %gather3A_1008 = arith.constant 0 : i32
      %gather3A_1009 = arith.constant 0 : i32
      %gather3A_1010 = tpu.memref_slice %arg6[%rem3A_691, %gather3A_1007, %gather3A_1008, %gather3A_1009] : memref<3x8x32x128xf32, #tpu.memory_space<vmem>> -> memref<1x1x32x128xf32, #tpu.memory_space<vmem>>
      %gather3A_1011 = tpu.memref_squeeze %gather3A_1010 : memref<1x1x32x128xf32, #tpu.memory_space<vmem>> -> memref<32x128xf32, #tpu.memory_space<vmem>>
      %gather3A_1012 = tpu.vector_load_idx %gather3A_1011[%add3A_1006, %broadcast_in_dim3A_989] : memref<32x128xf32, #tpu.memory_space<vmem>>[vector<16xi32>, vector<16xi32>], vector<16xf32>,
      tpu.vector_store_idx %arg7[%add3A_1006, %broadcast_in_dim3A_994], %gather3A_1012 : memref<32x512xf32, #tpu.memory_space<vmem>>[vector<16xi32>, vector<16xi32>], vector<16xf32>,
      %slice3A_1013 = vector.extract_strided_slice %scan3A_688 {offsets = [7], sizes = [1], strides = [1]} : vector<16xi32> to vector<1xi32>
      %squeeze3A_1014 = vector.extract %slice3A_1013[0] : i32 from vector<1xi32>
      %rem3A_1015 = arith.constant 128 : i32
      %rem3A_1016 = arith.remsi %squeeze3A_1014, %rem3A_1015 : i32
      %broadcast_in_dim3A_1017 = vector.broadcast %rem3A_1016 : i32 to vector<16xi32>
      %mul3A_1018 = arith.constant 8 : i32
      %mul3A_1019 = arith.muli %scan3A_687, %mul3A_1018 : i32
      %add3A_1020 = arith.constant 7 : i32
      %add3A_1021 = arith.addi %mul3A_1019, %add3A_1020 : i32
      %broadcast_in_dim3A_1022 = vector.broadcast %add3A_1021 : i32 to vector<16xi32>
      %add3A_1023 = arith.constant 0 : i32
      %add3A_1024 = vector.broadcast %add3A_1023 : i32 to vector<16xi32>
      %add3A_1025 = arith.addi %iota3A, %add3A_1024 : vector<16xi32>
      %gather3A_1026 = arith.constant 7 : i32
      %gather3A_1027 = arith.constant 0 : i32
      %gather3A_1028 = arith.constant 0 : i32
      %gather3A_1029 = tpu.memref_slice %arg6[%rem3A_691, %gather3A_1026, %gather3A_1027, %gather3A_1028] : memref<3x8x32x128xf32, #tpu.memory_space<vmem>> -> memref<1x1x32x128xf32, #tpu.memory_space<vmem>>
      %gather3A_1030 = tpu.memref_squeeze %gather3A_1029 : memref<1x1x32x128xf32, #tpu.memory_space<vmem>> -> memref<32x128xf32, #tpu.memory_space<vmem>>
      %gather3A_1031 = tpu.vector_load_idx %gather3A_1030[%add3A_1025, %broadcast_in_dim3A_1017] : memref<32x128xf32, #tpu.memory_space<vmem>>[vector<16xi32>, vector<16xi32>], vector<16xf32>,
      tpu.vector_store_idx %arg7[%add3A_1025, %broadcast_in_dim3A_1022], %gather3A_1031 : memref<32x512xf32, #tpu.memory_space<vmem>>[vector<16xi32>, vector<16xi32>], vector<16xf32>,
      %add3A_1032 = arith.constant 16 : i32
      %add3A_1033 = vector.broadcast %add3A_1032 : i32 to vector<16xi32>
      %add3A_1034 = arith.addi %iota3A, %add3A_1033 : vector<16xi32>
      %gather3A_1035 = arith.constant 7 : i32
      %gather3A_1036 = arith.constant 0 : i32
      %gather3A_1037 = arith.constant 0 : i32
      %gather3A_1038 = tpu.memref_slice %arg6[%rem3A_691, %gather3A_1035, %gather3A_1036, %gather3A_1037] : memref<3x8x32x128xf32, #tpu.memory_space<vmem>> -> memref<1x1x32x128xf32, #tpu.memory_space<vmem>>
      %gather3A_1039 = tpu.memref_squeeze %gather3A_1038 : memref<1x1x32x128xf32, #tpu.memory_space<vmem>> -> memref<32x128xf32, #tpu.memory_space<vmem>>
      %gather3A_1040 = tpu.vector_load_idx %gather3A_1039[%add3A_1034, %broadcast_in_dim3A_1017] : memref<32x128xf32, #tpu.memory_space<vmem>>[vector<16xi32>, vector<16xi32>], vector<16xf32>,
      tpu.vector_store_idx %arg7[%add3A_1034, %broadcast_in_dim3A_1022], %gather3A_1040 : memref<32x512xf32, #tpu.memory_space<vmem>>[vector<16xi32>, vector<16xi32>], vector<16xf32>,
      scf.yield %scan3A_689, %get3A_697 : vector<16xi32>, vector<16xi32>
    }
    %scan3A_686 = arith.constant 64 : i32
    "tpu.region"() ({
      %run_scoped3A = tpu.sem_alloc : memref<!tpu.dma_semaphore, #tpu.memory_space<semaphore_mem>>
      %dma_start3A_687 = arith.constant 0 : i32
      %dma_start3A_688 = tpu.memref_slice %arg4[%dma_start3A_687, %mul3A_2] : memref<32x16384xf32, #tpu.memory_space<hbm>> -> memref<32x512xf32, #tpu.memory_space<hbm>>
      %dma_start3A_689 = arith.constant 0 : i32
      %dma_start3A_690 = tpu.memref_slice %arg4[%dma_start3A_689, %mul3A_2] : memref<32x16384xf32, #tpu.memory_space<hbm>> -> memref<32x512xf32, #tpu.memory_space<hbm>>
      tpu.enqueue_dma source(%arg7 : memref<32x512xf32, #tpu.memory_space<vmem>>) target(%dma_start3A_690 : memref<32x512xf32, #tpu.memory_space<hbm>>) target_semaphore(%run_scoped3A : memref<!tpu.dma_semaphore, #tpu.memory_space<semaphore_mem>>)
      %dma_wait3A = arith.constant 0 : i32
      %dma_wait3A_691 = tpu.memref_slice %arg4[%dma_wait3A, %mul3A_2] : memref<32x16384xf32, #tpu.memory_space<hbm>> -> memref<32x512xf32, #tpu.memory_space<hbm>>
      %dma_wait3A_692 = arith.constant 0 : i32
      %dma_wait3A_693 = tpu.memref_slice %arg4[%dma_wait3A_692, %mul3A_2] : memref<32x16384xf32, #tpu.memory_space<hbm>> -> memref<32x512xf32, #tpu.memory_space<hbm>>
      tpu.wait_dma2 semaphore(%run_scoped3A : memref<!tpu.dma_semaphore, #tpu.memory_space<semaphore_mem>>) src(%arg7 : memref<32x512xf32, #tpu.memory_space<vmem>>) dst(%dma_wait3A_693 : memref<32x512xf32, #tpu.memory_space<hbm>>)
      tpu.yield
    }) : () -> ()
    return
  }
}

</mosaic_0001>

<sc_bundles>
// kernel: _gather.3.cloned.1.call-start
scs
__scs_entry_jumppad:
0x0: {  	(pc) =	sbr.rel $0x88, $3  }
0x1: {  	(tag) =	ssettag $0x0;
	lr =	simm.s32 $0x1  }
0x2: {  	[smem:$0x3F9F] =	sst lr;
	_ =	strace $0xD0000000  }
0x3: {  	_ = 	snop  }
0x4: {  	_ = 	snop  }
0x5: {  	_ = 	snop  }
0x6: {  	_ = 	snop  }
0x7: {  	_ = 	snop  }
__scs_overlays_trampoline_lowered:
0x8: {  	[smem:$0x3FAE] =	sst s0  }
0x9: {  	[smem:$0x3FAF] =	sst s1  }
0xa: {  	[smem:$0x3FB0] =	sst s2  }
0xb: {  	[smem:$0x3FB1] =	sst s3  }
0xc: {  	[smem:$0x3FB2] =	sst s4  }
0xd: {  	[smem:$0x3FB3] =	sst s5  }
0xe: {  	[smem:$0x3FB4] =	sst s6  }
0xf: {  	[smem:$0x3FB5] =	sst s7  }
0x10: {  	[smem:$0x3FB6] =	sst s8  }
0x11: {  	[smem:$0x3FB7] =	sst s9;
	s0 =	simm.s32 @!p0 $0x0  }
0x12: {  	s1 =	sld [smem:$0x3F9D];
	s0 =	simm.s32 @p0 $0x1  }
0x13: {  	[smem:$0x3FB8] =	sst s0;
	s0 =	simm.s32 @!p1 $0x0  }
0x14: {  	s2 =	sld [smem:$0x3F9C];
	s0 =	simm.s32 @p1 $0x1  }
0x15: {  	[smem:$0x3FB9] =	sst s0;
	s0 =	simm.s32 @!p2 $0x0  }
0x16: {  	s3 =	sld [smem:$0x3FDB];
	s0 =	simm.s32 @p2 $0x1  }
0x17: {  	s4 =	simm.s32 $0x1BF5;
	[smem:$0x3FBB] =	sst s0  }
0x18: {  	s0 =	sld [smem:$0x3F9E];
	_ =	swait.ge [sflag:s4], $0x0  }
0x19: {  	s7 =	sld [smem:$0x3F9F]  }
0x1a: {  	s8 =	sadd.s32 $0xFFFFE003, lr  }
0x1b: {  	s9 =	sadd.s32 $0xFFFFFEF7, lr;
	s5 =	simm.s32 $0xFFFFFFFF;
	p2 =	slt.u32 s8, $0xFFFFF086  }
0x1c: {  	p1 =	slt.u32 s9, $0xF7A;
	s5 =	simm.s32 @!p2 $0x0  }
0x1d: {  	s5 =	simm.s32 @p1 $0x1;
	p0 =	seq.s32 s7, s2  }
0x1e: {  	s7 =	smul.u32 @!p0 $0xF7A, s2;
	p2 =	seq.s32 @!p0 s5, $0x0  }
0x1f: {  	s9 =	smul.u32 $0xF7A, s1;
	s8 =	simm.s32 @!p0 $0x1BF5;
	p2 =	por !p2, p0  }
0x20: {  	[sflag:s8] =	ssyncset.s32 @!p0 $0xFFFFF086;
	s6 =	sadd.s32 @!p0 s3, s7;
	s7 =	simm.s32 @!p0 $0x108  }
0x21: {  	s3 =	sadd.s32 s3, s9;
	s6 =	sadd.s32 @!p0 $0x88, s6;
	s7 =	simm.s32 @p2 $0x1082  }
0x22: {  	[simem:s7], [sflag:s8] =	dma.local @!p0 [hbm:s6], $0xF7A  }
0x23: {  	s9 =	sor.u32 $0xD0000000, s2;
	s6 =	simm.s32 $0x108;
	_ =	swait.ge @!p0 [sflag:s8], $0x0  }
0x24: {  	s3 =	sadd.s32 $0x88, s3;
	s6 =	simm.s32 @!p1 $0x1082;
	[sflag:s4] =	ssyncset.s32 $0xFFFFF086  }
0x25: {  	[simem:s6], [sflag:s4] =	dma.local [hbm:s3], $0xF7A  }
0x26: {  	[smem:$0x3F9F] =	sst s1;
	(tag) =	ssettag s2;
	_ =	strace s9  }
0x27: {  	s1 =	sld [smem:$0x3FAF]  }
0x28: {  	s2 =	sld [smem:$0x3FB0]  }
0x29: {  	s4 =	sld [smem:$0x3FB2]  }
0x2a: {  	p0 =	seq.s32 s5, $0x0;
	s5 =	sld [smem:$0x3FB3]  }
0x2b: {  	s6 =	sld [smem:$0x3FB4]  }
0x2c: {  	s7 =	sld [smem:$0x3FB5]  }
0x2d: {  	s3 =	simm.s32 $0x108;
	s8 =	sld [smem:$0x3FB6]  }
0x2e: {  	s3 =	simm.s32 @!p0 $0x1082;
	s9 =	sld [smem:$0x3FB7]  }
0x2f: {  	lr =	sadd.s32 s0, s3;
	s0 =	sld [smem:$0x3FAE]  }
0x30: {  	s3 =	sld [smem:$0x3FB1]  }
0x31: {  	[smem:$0x3FBA] =	sst s10  }
0x32: {  	s10 =	sld [smem:$0x3FB8];
	_ =	sdelay $0x3  }
0x33: {  	p0 =	seq.s32 s10, $0x1;
	s10 =	sld [smem:$0x3FBA];
	_ =	sdelay $0x3  }
0x34: {  	[smem:$0x3FBA] =	sst s10  }
0x35: {  	s10 =	sld [smem:$0x3FB9];
	_ =	sdelay $0x3  }
0x36: {  	p1 =	seq.s32 s10, $0x1;
	s10 =	sld [smem:$0x3FBA];
	_ =	sdelay $0x3  }
0x37: {  	[smem:$0x3FBA] =	sst s10  }
0x38: {  	s10 =	sld [smem:$0x3FBB]  }
0x39: {  	_ = 	snop;
	(pc) =	sbr.ind lr, $3  }
0x3a: {  	_ = 	snop  }
0x3b: {  	_ = 	snop  }
0x3c: {  	p2 =	seq.s32 s10, $0x1;
	s10 =	sld [smem:$0x3FBA]  }
0x3d: {  	_ =	shalt  }
0x3e: {  	_ =	shalt  }
0x3f: {  	_ =	shalt  }
0x40: {  	_ =	shalt  }
0x41: {  	_ =	shalt  }
0x42: {  	_ =	shalt  }
0x43: {  	_ =	shalt  }
0x44: {  	_ =	shalt  }
0x45: {  	_ =	shalt  }
0x46: {  	_ =	shalt  }
0x47: {  	_ =	shalt  }
0x48: {  	_ =	shalt  }
0x49: {  	_ =	shalt  }
0x4a: {  	_ =	shalt  }
0x4b: {  	_ =	shalt  }
0x4c: {  	_ =	shalt  }
0x4d: {  	_ =	shalt  }
0x4e: {  	_ =	shalt  }
0x4f: {  	_ =	shalt  }
0x50: {  	_ =	shalt  }
0x51: {  	_ =	shalt  }
0x52: {  	_ =	shalt  }
0x53: {  	_ =	shalt  }
0x54: {  	_ =	shalt  }
0x55: {  	_ =	shalt  }
0x56: {  	_ =	shalt  }
0x57: {  	_ =	shalt  }
0x58: {  	_ =	shalt  }
0x59: {  	_ =	shalt  }
0x5a: {  	_ =	shalt  }
0x5b: {  	_ =	shalt  }
0x5c: {  	_ =	shalt  }
0x5d: {  	_ =	shalt  }
0x5e: {  	_ =	shalt  }
0x5f: {  	_ =	shalt  }
0x60: {  	_ =	shalt  }
0x61: {  	_ =	shalt  }
0x62: {  	_ =	shalt  }
0x63: {  	_ =	shalt  }
0x64: {  	_ =	shalt  }
0x65: {  	_ =	shalt  }
0x66: {  	_ =	shalt  }
0x67: {  	_ =	shalt  }
0x68: {  	_ =	shalt  }
0x69: {  	_ =	shalt  }
0x6a: {  	_ =	shalt  }
0x6b: {  	_ =	shalt  }
0x6c: {  	_ =	shalt  }
0x6d: {  	_ =	shalt  }
0x6e: {  	_ =	shalt  }
0x6f: {  	_ =	shalt  }
0x70: {  	_ =	shalt  }
0x71: {  	_ =	shalt  }
0x72: {  	_ =	shalt  }
0x73: {  	_ =	shalt  }
0x74: {  	_ =	shalt  }
0x75: {  	_ =	shalt  }
0x76: {  	_ =	shalt  }
0x77: {  	_ =	shalt  }
0x78: {  	_ =	shalt  }
0x79: {  	_ =	shalt  }
0x7a: {  	_ =	shalt  }
0x7b: {  	_ =	shalt  }
0x7c: {  	_ =	shalt  }
0x7d: {  	_ =	shalt  }
0x7e: {  	_ =	shalt  }
0x7f: {  	_ =	shalt  }
0x80: {  	_ =	shalt  }
0x81: {  	_ =	shalt  }
0x82: {  	_ =	shalt  }
0x83: {  	_ =	shalt  }
0x84: {  	_ =	shalt  }
0x85: {  	_ =	shalt  }
0x86: {  	_ =	shalt  }
0x87: {  	_ =	shalt  }
.Lfunc_end0:
.L_simem_size_0:
called_computation_lowered:
.L_overlay_start_0:
0x88: {  	s2 =	sld [smem:$0x3FD9]  }
0x89: {  	s3 =	sld [smem:$0x3FFE];
	_ =	sdelay $0x1  }
0x8a: {  	s1 =	srdreg.scid  }
0x8b: {  	s0 =	sand.u32 $0x1, s1  }
0x8c: {  	s18 =	sshll.u32 s0, $0xA;
	s2 =	sadd.s32 s3, s2  }
0x8d: {  	s2 =	sadd.s32 s2, s18  }
0x8e: {  	[smem:$0x3FC6] =	sst s2  }
0x8f: {  	_ = 	snop  }
0x90: {  	s2 =	sld [smem:$0x3FC9]  }
0x91: {  	s19 =	sld [smem:$0x3FC8]  }
0x92: {  	s4 =	sld [smem:$0x3FD0];
	(tm) =	ssettm $0x1  }
0x93: {  	s5 =	sld [smem:$0x3FFB];
	_ =	sdelay $0x3  }
0x94: {  	_ =	strace s5  }
0x95: {  	s5 =	sld [smem:$0x3FFC];
	_ =	sdelay $0x3  }
0x96: {  	_ =	strace s5  }
0x97: {  	s5 =	sld [smem:$0x3FFD];
	_ =	sdelay $0x3  }
0x98: {  	_ =	strace s5  }
0x99: {  	_ =	strace $0x8FFFFFFF  }
0x9a: {  	s20 =	sld [smem:$0x3FDB];
	_ =	sdelay $0x1  }
0x9b: {  	s6 =	simm.s32 $_scs_section_size  }
0x9c: {  	s7 =	simm.s32 $_size__tile_overlayer_lowered;
	s8 =	simm.s32 $_tile_overlayer_lowered  }
0x9d: {  	s23 =	simm.s32 $0x1BFF;
	s22 =	sshll.u32 s8, $0x1;
	s5 =	sadd.s32 s6, s20  }
0x9e: {  	s9 =	simm.s32 $0x0;
	s21 =	sshll.u32 s7, $0x1;
	s7 =	sadd.s32 s22, s5  }
0x9f: {  	[timem:s9], [sflag:s23] =	dma.local [hbm:s7], s21  }
0xa0: {  	_ =	swait.ge [sflag:s23], s21  }
0xa1: {  	s6 =	ssub.s32 $0x0, s21;
	[sflag:s23] =	ssyncset.done $0x0  }
0xa2: {  	[sflag:s23] =	ssyncadd.s32 s6;
	_ =	sdelay $0x1  }
0xa3: {  	s24 =	simm.s32 $0x1B8B  }
0xa4: {  	_ =	swait.ge [sflag:s24], $0x1  }
0xa5: {  	[sflag:s24] =	ssyncset.done $0x0  }
0xa6: {  	s25 =	simm.s32 $0x1B8E;
	[sflag:s24] =	ssyncadd.s32 $0xFFFFFFFF  }
0xa7: {  	s26 =	simm.s32 $execute0_lowered;
	[smem:$0x3FD2] =	sst s25  }
0xa8: {  	s6 =	sshll.u32 s26, $0x1;
	_ =	strace $0x80000046;
	[dreg:$0x1] =	wrdreg $0xFFFFFFFF  }
0xa9: {  	s28 =	simm.s32 $_size_execute0_lowered;
	s5 =	sadd.s32 s5, s6;
	[dreg:$0x0] =	wrdreg $0x0  }
0xaa: {  	s6 =	sshll.u32 s28, $0x1;
	[dreg:$0x2] =	wrdreg s5  }
0xab: {  	[dreg:$0x3] =	wrdreg s6  }
0xac: {  	[dreg:$0x4] =	wrdreg $0xC0  }
0xad: {  	_ =	task [dreg:s9], $0x5FFFF  }
0xae: {  	[dreg:$0x1] =	wrdreg $0xFFFFFFFF  }
0xaf: {  	[dreg:$0x0] =	wrdreg $0x60  }
0xb0: {  	[dreg:$0x2] =	wrdreg s2  }
0xb1: {  	[dreg:$0x3] =	wrdreg s19  }
0xb2: {  	[dreg:$0x4] =	wrdreg s4  }
0xb3: {  	[dreg:$0x5] =	wrdreg $0x9  }
0xb4: {  	_ =	task.clear_ibuf [dreg:s9], $0x6FFFF;
	_ =	strace $0x90000046  }
0xb5: {  	s29 =	simm.s32 $0x9;
	_ =	strace $0x80000048  }
0xb6: {  	_ =	swait.ge [sflag:s29], $0x1  }
0xb7: {  	[sflag:s29] =	ssyncadd.s32 $0xFFFFFFFF  }
0xb8: {  	_ =	strace $0x90000048  }
0xb9: {  	_ =	sfence  }
0xba: {  	s30 =	sld [smem:$0x0];
	_ =	sdelay $0x2  }
0xbb: {  	s31 =	sshll.u32 s1, $0xD;
	s1 =	sshrl.u32 s1, $0x2  }
0xbc: {  	s3 =	sand.u32 $0x4000, s31;
	s1 =	sadd.s32 s1, s30  }
0xbd: {  	s0 =	sor.u32 s3, s0;
	s1 =	sshll.u32 s1, $0x11  }
0xbe: {  	s0 =	sor.u32 s1, s0  }
0xbf: {  	s0 =	sadd.s32 $0x8F2B, s0  }
0xc0: {  	[sflag:s0] =	ssyncadd.remote.s32 $0x1  }
0xc1: {  	_ =	sfence.sel $0xFFFF  }
0xc2: {  	[dreg:$0x0] =	wrdreg $0xFFFFFFFF;
	(pc) =	sbr.abs _section_cstart, $3  }
0xc3: {  	[dreg:$0x1] =	wrdreg $0xFFFFFFFF  }
0xc4: {  	_ =	task.clear_ibuf [dreg:s9], $0x2FFFF;
	_ =	strace $0x9FFFFFFF  }
0xc5: {  	(tm) =	ssettm $0x7FFFFFFF  }
tec
execute0_lowered:
.L_overlay_start_1:
0x0: {  	(tag) =	ssettag $0x1  }
0x1: {  	v0 =	vlaneseq.u32;
	v1 =	vimm.s32 $0x1380  }
0x2: {  	vm0 =	vcmask $0x300;
	v2 =	vimm.s32 $0x3380;
	vm1 =	vcmask $0x704  }
0x3: {  	s1 =	rddreg [dreg:$0x0];
	vm15 =	vcmask $0xB08;
	v1 =	vsel vm0, $0x0, v1;
	v2 =	vsel vm0, $0x2000, v2  }
0x4: {  	s0 =	rddreg [dreg:$0x1];
	vm4 =	vcmask $0xF0C;
	v1 =	vsel vm1, $0x80, v1;
	v2 =	vsel vm1, $0x2080, v2  }
0x5: {  	s2 =	rddreg [dreg:$0x2];
	s3 =	srdreg.scid;
	vm5 =	vcmask $0x1310;
	v1 =	vsel vm15, $0x100, v1;
	v2 =	vsel vm15, $0x2100, v2  }
0x6: {  	s6 =	simm.s32 $0x0;
	s5 =	stileid.u32;
	vm6 =	vcmask $0x1714;
	s7 =	simm.s32 $0x2;
	v1 =	vsel vm4, $0x180, v1;
	v2 =	vsel vm4, $0x2180, v2  }
0x7: {  	vm7 =	vcmask $0x1B18;
	s8 =	simm.s32 $0x1;
	s9 =	simm.s32 $0x7A1400;
	s10 =	simm.s32 $0x400;
	v1 =	vsel vm5, $0x200, v1;
	v2 =	vsel vm5, $0x2200, v2  }
0x8: {  	vm8 =	vcmask $0x1F1C;
	s15 =	simm.s32 $0x4280;
	s16 =	simm.s32 $0x5280;
	s17 =	simm.s32 $0x6280;
	v1 =	vsel vm6, $0x280, v1;
	v2 =	vsel vm6, $0x2280, v2  }
0x9: {  	vm9 =	vcmask $0x2320;
	s18 =	simm.s32 $0x7280;
	s19 =	simm.s32 $0x8280;
	s20 =	simm.s32 $0x9280;
	v1 =	vsel vm7, $0x300, v1;
	v2 =	vsel vm7, $0x2300, v2  }
0xa: {  	vm10 =	vcmask $0x2724;
	s21 =	simm.s32 $0xA280;
	s22 =	simm.s32 $0xB280;
	s23 =	simm.s32 $0xC280;
	v1 =	vsel vm8, $0x380, v1;
	v2 =	vsel vm8, $0x2380, v2  }
0xb: {  	vm11 =	vcmask $0x2B28;
	s24 =	simm.s32 $0xD280;
	s28 =	simm.s32 $0x18280;
	s29 =	simm.s32 $0x1000;
	v1 =	vsel vm9, $0x1000, v1;
	v2 =	vsel vm9, $0x3000, v2  }
0xc: {  	vm12 =	vcmask $0x2F2C;
	s30 =	simm.s32 $0x20000;
	s31 =	simm.s32 $0x0;
	s3 =	sand.u32 $0x1, s3;
	v1 =	vsel vm10, $0x1080, v1;
	v2 =	vsel vm10, $0x3080, v2  }
.Ltmp0:
0xd: {  	vm13 =	vcmask $0x3330;
	s5 =	sshll.u32 s5, $0xA;
	s4 =	ssub.s32 $0x2, s3;
	v1 =	vsel vm11, $0x1100, v1;
	v2 =	vsel vm11, $0x3100, v2;
	(pc) =	sbr.rel .LBB2_1-.Ltmp0, $4  }
0xe: {  	vm14 =	vcmask $0x3734;
	[smem:$0x7FF] =	sst s6;
	s3 =	sshll.u32 s3, $0x9;
	s25 =	sshrl.u32 s4, $0x1;
	v1 =	vsel vm12, $0x1180, v1;
	v2 =	vsel vm12, $0x3180, v2  }
0xf: {  	v0 =	vmul.u32 $0x80, v0;
	_ =	strace $0x80000047;
	s3 =	sor.u32 s3, s5;
	s6 =	ssub.s32 s4, s25;
	v1 =	vsel vm13, $0x1200, v1;
	v2 =	vsel vm13, $0x3200, v2  }
0x10: {  	vm15 =	vcmask $0x3B38;
	s26 =	sshrl.u32 s3, $0x3;
	s5 =	sadd.s32 s2, s3;
	s25 =	simm.s32 $0xE280;
	v1 =	vsel vm14, $0x1280, v1;
	v3 =	vsel vm14, $0x3280, v2  }
0x11: {  	s4 =	sadd.s32 s1, s26;
	s6 =	smax.u32 s6, $0x1;
	s26 =	simm.s32 $0xF280;
	v2 =	vor.u32 $0x800, v0;
	v1 =	vsel vm15, $0x1300, v1;
	v3 =	vsel vm15, $0x3300, v3  }
.LBB2_5:
0x12: {  	s31 =	sadd.s32 $0x1, s31  }
0x13: {  	p0 =	sne.s32 s31, s6  }
.Ltmp1:
0x14: {  	_ = 	snop;
	(pc) =	sbr.rel @!p0 .LBB2_6-.Ltmp1, $4  }
0x15: {  	[hbm4b:s5+s29] =	stream.strided.scatter [tilespmem:s28], [sflag:$0x2], $0x4000, s30, s29, $0x38;
	[tilespmem:$0x1C280] =	vst v63  }
0x16: {  	_ =	swait.ge [sflag:s7], $0x4000  }
0x17: {  	[sflag:s7] =	ssyncset.done $0x0  }
0x18: {  	[sflag:s7] =	ssyncadd.s32 $0xFFFFC000  }
.LBB2_1:
0x19: {  	s1 =	simm.s32 $0x0  }
0x1a: {  	[tilespmem:s1], [sflag:$0x2] =	stream.linear.gather [hbm4b:s4+s1], $0x200, $0x38;
	[tilespmem:$0x1C280] =	vst v63  }
0x1b: {  	_ =	swait.ge [sflag:s7], $0x200  }
0x1c: {  	[sflag:s7] =	ssyncset.done $0x0  }
0x1d: {  	[sflag:s7] =	ssyncadd.s32 $0xFFFFFE00  }
0x1e: {  	v5 =	vld [tilespmem:$0x0];
	_ =	sdelay $0x4  }
0x1f: {  	(v2sf) =	vpush v5, $0x0;
	_ =	sdelay $0x5  }
0x20: {  	(v2sf) =	vpush v5, $0x1;
	_ =	sdelay $0x8  }
0x21: {  	s14 =	spop (v2sf)  }
0x22: {  	(v2sf) =	vpush v5, $0x2;
	s2 =	sand.u32 $0x7F, s14  }
0x23: {  	s3 =	sshra.s32 s14, $0x1F;
	p0 =	slt.s32 s14, $0x1;
	p1 =	sne.s32 s2, $0x0  }
0x24: {  	s3 =	sshrl.u32 s3, $0x19;
	p0 =	por !p0, !p1  }
0x25: {  	s2 =	simm.s32 $0x1;
	s1 =	sadd.s32 s3, s14;
	p0 =	por !p0, !p0  }
0x26: {  	s1 =	sshrl.u32 s1, $0x7;
	s2 =	simm.s32 @!p0 $0x0  }
0x27: {  	s11 =	simm.s32 $0x280;
	s12 =	spop (v2sf);
	s1 =	ssub.s32 s1, s2  }
0x28: {  	s13 =	sand.u32 $0x7F, s12;
	s14 =	sshra.s32 s12, $0x1F;
	s1 =	sshll.u32 s1, $0x7  }
0x29: {  	(v2sf) =	vpush v5, $0x3;
	p1 =	slt.s32 s12, $0x1;
	p2 =	sne.s32 s13, $0x0;
	s1 =	sand.u32 $0x1FFFFF80, s1  }
0x2a: {  	s3 =	sshrl.u32 s14, $0x19;
	p0 =	por !p1, !p2;
	s1 =	sadd.s32 s0, s1  }
0x2b: {  	v4 =	vld [tilespmem:$0x8];
	[tilespmem:s11], [sflag:$0x1] =	stream.strided.gather [hbm4b:s1+s10], $0x1000, s9, s10, $0x38  }
0x2c: {  	p0 =	por !p0, !p0;
	s2 =	simm.s32 $0x1;
	s1 =	sadd.s32 s3, s12  }
0x2d: {  	s2 =	simm.s32 @!p0 $0x0;
	s1 =	sshrl.u32 s1, $0x7  }
0x2e: {  	s1 =	ssub.s32 s1, s2  }
0x2f: {  	s1 =	sshll.u32 s1, $0x7  }
0x30: {  	s1 =	sand.u32 $0x1FFFFF80, s1  }
0x31: {  	s11 =	simm.s32 $0x1280;
	s1 =	sadd.s32 s0, s1;
	s12 =	spop (v2sf)  }
0x32: {  	[tilespmem:s11], [sflag:$0x1] =	stream.strided.gather [hbm4b:s1+s10], $0x1000, s9, s10, $0x38;
	[tilespmem:$0x1C280] =	vst v63  }
0x33: {  	(v2sf) =	vpush v5, $0x4;
	s13 =	sand.u32 $0x7F, s12  }
0x34: {  	s14 =	sshra.s32 s12, $0x1F;
	p3 =	slt.s32 s12, $0x1;
	p4 =	sne.s32 s13, $0x0  }
0x35: {  	s3 =	sshrl.u32 s14, $0x19;
	p0 =	por !p3, !p4  }
0x36: {  	s2 =	simm.s32 $0x1;
	s1 =	sadd.s32 s3, s12;
	p0 =	por !p0, !p0  }
0x37: {  	s1 =	sshrl.u32 s1, $0x7;
	s2 =	simm.s32 @!p0 $0x0  }
0x38: {  	s11 =	simm.s32 $0x2280;
	s12 =	spop (v2sf);
	s1 =	ssub.s32 s1, s2  }
0x39: {  	s13 =	sand.u32 $0x7F, s12;
	s14 =	sshra.s32 s12, $0x1F;
	s1 =	sshll.u32 s1, $0x7  }
0x3a: {  	(v2sf) =	vpush v5, $0x5;
	p5 =	slt.s32 s12, $0x1;
	p6 =	sne.s32 s13, $0x0;
	s1 =	sand.u32 $0x1FFFFF80, s1  }
0x3b: {  	s3 =	sshrl.u32 s14, $0x19;
	p0 =	por !p5, !p6;
	s1 =	sadd.s32 s0, s1  }
0x3c: {  	[tilespmem:s11], [sflag:$0x1] =	stream.strided.gather [hbm4b:s1+s10], $0x1000, s9, s10, $0x38;
	[tilespmem:$0x1C280] =	vst v63  }
0x3d: {  	s2 =	simm.s32 $0x1;
	p0 =	por !p0, !p0;
	s1 =	sadd.s32 s3, s12  }
0x3e: {  	s2 =	simm.s32 @!p0 $0x0;
	s1 =	sshrl.u32 s1, $0x7  }
0x3f: {  	s1 =	ssub.s32 s1, s2  }
0x40: {  	s1 =	sshll.u32 s1, $0x7  }
0x41: {  	s1 =	sand.u32 $0x1FFFFF80, s1  }
0x42: {  	s11 =	simm.s32 $0x3280;
	s1 =	sadd.s32 s0, s1;
	s12 =	spop (v2sf)  }
0x43: {  	[tilespmem:s11], [sflag:$0x1] =	stream.strided.gather [hbm4b:s1+s10], $0x1000, s9, s10, $0x38;
	[tilespmem:$0x1C280] =	vst v63  }
0x44: {  	(v2sf) =	vpush v5, $0x6;
	s13 =	sand.u32 $0x7F, s12  }
0x45: {  	s14 =	sshra.s32 s12, $0x1F;
	p1 =	slt.s32 s12, $0x1;
	p2 =	sne.s32 s13, $0x0  }
0x46: {  	s11 =	sshrl.u32 s14, $0x19;
	p0 =	por !p1, !p2  }
0x47: {  	s2 =	simm.s32 $0x1;
	s1 =	sadd.s32 s11, s12;
	p0 =	por !p0, !p0  }
0x48: {  	s1 =	sshrl.u32 s1, $0x7;
	s2 =	simm.s32 @!p0 $0x0  }
0x49: {  	s12 =	spop (v2sf);
	s1 =	ssub.s32 s1, s2  }
0x4a: {  	s13 =	sand.u32 $0x7F, s12;
	s14 =	sshra.s32 s12, $0x1F;
	s1 =	sshll.u32 s1, $0x7  }
0x4b: {  	(v2sf) =	vpush v5, $0x7;
	p3 =	slt.s32 s12, $0x1;
	p4 =	sne.s32 s13, $0x0;
	s1 =	sand.u32 $0x1FFFFF80, s1  }
0x4c: {  	s11 =	sshrl.u32 s14, $0x19;
	p0 =	por !p3, !p4;
	s1 =	sadd.s32 s0, s1  }
0x4d: {  	[tilespmem:s15], [sflag:$0x1] =	stream.strided.gather [hbm4b:s1+s10], $0x1000, s9, s10, $0x38;
	[tilespmem:$0x1C280] =	vst v63  }
0x4e: {  	s2 =	simm.s32 $0x1;
	p0 =	por !p0, !p0;
	s1 =	sadd.s32 s11, s12  }
0x4f: {  	s2 =	simm.s32 @!p0 $0x0;
	s1 =	sshrl.u32 s1, $0x7  }
0x50: {  	s1 =	ssub.s32 s1, s2  }
0x51: {  	s1 =	sshll.u32 s1, $0x7  }
0x52: {  	s1 =	sand.u32 $0x1FFFFF80, s1  }
0x53: {  	s1 =	sadd.s32 s0, s1;
	s12 =	spop (v2sf)  }
0x54: {  	[tilespmem:s16], [sflag:$0x1] =	stream.strided.gather [hbm4b:s1+s10], $0x1000, s9, s10, $0x38;
	[tilespmem:$0x1C280] =	vst v63  }
0x55: {  	(v2sf) =	vpush v4, $0x0;
	s13 =	sand.u32 $0x7F, s12  }
0x56: {  	s14 =	sshra.s32 s12, $0x1F;
	p5 =	slt.s32 s12, $0x1;
	p6 =	sne.s32 s13, $0x0  }
0x57: {  	s11 =	sshrl.u32 s14, $0x19;
	p0 =	por !p5, !p6  }
0x58: {  	s2 =	simm.s32 $0x1;
	s1 =	sadd.s32 s11, s12;
	p0 =	por !p0, !p0  }
0x59: {  	s1 =	sshrl.u32 s1, $0x7;
	s2 =	simm.s32 @!p0 $0x0  }
0x5a: {  	s12 =	spop (v2sf);
	s1 =	ssub.s32 s1, s2  }
0x5b: {  	s13 =	sand.u32 $0x7F, s12;
	s14 =	sshra.s32 s12, $0x1F;
	s1 =	sshll.u32 s1, $0x7  }
0x5c: {  	(v2sf) =	vpush v4, $0x1;
	p1 =	slt.s32 s12, $0x1;
	p2 =	sne.s32 s13, $0x0;
	s1 =	sand.u32 $0x1FFFFF80, s1  }
0x5d: {  	s11 =	sshrl.u32 s14, $0x19;
	p0 =	por !p1, !p2;
	s1 =	sadd.s32 s0, s1  }
0x5e: {  	[tilespmem:s17], [sflag:$0x1] =	stream.strided.gather [hbm4b:s1+s10], $0x1000, s9, s10, $0x38;
	[tilespmem:$0x1C280] =	vst v63  }
0x5f: {  	s2 =	simm.s32 $0x1;
	p0 =	por !p0, !p0;
	s1 =	sadd.s32 s11, s12  }
0x60: {  	s2 =	simm.s32 @!p0 $0x0;
	s1 =	sshrl.u32 s1, $0x7  }
0x61: {  	s1 =	ssub.s32 s1, s2  }
0x62: {  	s1 =	sshll.u32 s1, $0x7  }
0x63: {  	s1 =	sand.u32 $0x1FFFFF80, s1  }
0x64: {  	s1 =	sadd.s32 s0, s1;
	s12 =	spop (v2sf)  }
0x65: {  	[tilespmem:s18], [sflag:$0x1] =	stream.strided.gather [hbm4b:s1+s10], $0x1000, s9, s10, $0x38;
	[tilespmem:$0x1C280] =	vst v63  }
0x66: {  	(v2sf) =	vpush v4, $0x2;
	s13 =	sand.u32 $0x7F, s12  }
0x67: {  	s14 =	sshra.s32 s12, $0x1F;
	p3 =	slt.s32 s12, $0x1;
	p4 =	sne.s32 s13, $0x0  }
0x68: {  	s11 =	sshrl.u32 s14, $0x19;
	p0 =	por !p3, !p4  }
0x69: {  	s2 =	simm.s32 $0x1;
	s1 =	sadd.s32 s11, s12;
	p0 =	por !p0, !p0  }
0x6a: {  	s1 =	sshrl.u32 s1, $0x7;
	s2 =	simm.s32 @!p0 $0x0  }
0x6b: {  	s12 =	spop (v2sf);
	s1 =	ssub.s32 s1, s2  }
0x6c: {  	s13 =	sand.u32 $0x7F, s12;
	s14 =	sshra.s32 s12, $0x1F;
	s1 =	sshll.u32 s1, $0x7  }
0x6d: {  	(v2sf) =	vpush v4, $0x3;
	p5 =	slt.s32 s12, $0x1;
	p6 =	sne.s32 s13, $0x0;
	s1 =	sand.u32 $0x1FFFFF80, s1  }
0x6e: {  	s11 =	sshrl.u32 s14, $0x19;
	p0 =	por !p5, !p6;
	s1 =	sadd.s32 s0, s1  }
0x6f: {  	[tilespmem:s19], [sflag:$0x1] =	stream.strided.gather [hbm4b:s1+s10], $0x1000, s9, s10, $0x38;
	[tilespmem:$0x1C280] =	vst v63  }
0x70: {  	s2 =	simm.s32 $0x1;
	p0 =	por !p0, !p0;
	s1 =	sadd.s32 s11, s12  }
0x71: {  	s2 =	simm.s32 @!p0 $0x0;
	s1 =	sshrl.u32 s1, $0x7  }
0x72: {  	s1 =	ssub.s32 s1, s2  }
0x73: {  	s1 =	sshll.u32 s1, $0x7  }
0x74: {  	s1 =	sand.u32 $0x1FFFFF80, s1  }
0x75: {  	s1 =	sadd.s32 s0, s1;
	s12 =	spop (v2sf)  }
0x76: {  	[tilespmem:s20], [sflag:$0x1] =	stream.strided.gather [hbm4b:s1+s10], $0x1000, s9, s10, $0x38;
	[tilespmem:$0x1C280] =	vst v63  }
0x77: {  	(v2sf) =	vpush v4, $0x4;
	s13 =	sand.u32 $0x7F, s12  }
0x78: {  	s14 =	sshra.s32 s12, $0x1F;
	p1 =	slt.s32 s12, $0x1;
	p2 =	sne.s32 s13, $0x0  }
0x79: {  	s11 =	sshrl.u32 s14, $0x19;
	p0 =	por !p1, !p2  }
0x7a: {  	s2 =	simm.s32 $0x1;
	s1 =	sadd.s32 s11, s12;
	p0 =	por !p0, !p0  }
0x7b: {  	s1 =	sshrl.u32 s1, $0x7;
	s2 =	simm.s32 @!p0 $0x0  }
0x7c: {  	s12 =	spop (v2sf);
	s1 =	ssub.s32 s1, s2  }
0x7d: {  	s13 =	sand.u32 $0x7F, s12;
	s14 =	sshra.s32 s12, $0x1F;
	s1 =	sshll.u32 s1, $0x7  }
0x7e: {  	(v2sf) =	vpush v4, $0x5;
	p3 =	slt.s32 s12, $0x1;
	p4 =	sne.s32 s13, $0x0;
	s1 =	sand.u32 $0x1FFFFF80, s1  }
0x7f: {  	s11 =	sshrl.u32 s14, $0x19;
	p0 =	por !p3, !p4;
	s1 =	sadd.s32 s0, s1  }
0x80: {  	[tilespmem:s21], [sflag:$0x1] =	stream.strided.gather [hbm4b:s1+s10], $0x1000, s9, s10, $0x38;
	[tilespmem:$0x1C280] =	vst v63  }
0x81: {  	s2 =	simm.s32 $0x1;
	p0 =	por !p0, !p0;
	s1 =	sadd.s32 s11, s12  }
0x82: {  	s2 =	simm.s32 @!p0 $0x0;
	s1 =	sshrl.u32 s1, $0x7  }
0x83: {  	s1 =	ssub.s32 s1, s2  }
0x84: {  	s1 =	sshll.u32 s1, $0x7  }
0x85: {  	s1 =	sand.u32 $0x1FFFFF80, s1  }
0x86: {  	s1 =	sadd.s32 s0, s1;
	s12 =	spop (v2sf)  }
0x87: {  	[tilespmem:s22], [sflag:$0x1] =	stream.strided.gather [hbm4b:s1+s10], $0x1000, s9, s10, $0x38;
	[tilespmem:$0x1C280] =	vst v63  }
0x88: {  	(v2sf) =	vpush v4, $0x6;
	s13 =	sand.u32 $0x7F, s12  }
0x89: {  	s14 =	sshra.s32 s12, $0x1F;
	p5 =	slt.s32 s12, $0x1;
	p6 =	sne.s32 s13, $0x0  }
0x8a: {  	s11 =	sshrl.u32 s14, $0x19;
	p0 =	por !p5, !p6  }
0x8b: {  	s2 =	simm.s32 $0x1;
	s1 =	sadd.s32 s11, s12;
	p0 =	por !p0, !p0  }
0x8c: {  	s1 =	sshrl.u32 s1, $0x7;
	s2 =	simm.s32 @!p0 $0x0  }
0x8d: {  	s12 =	spop (v2sf);
	s1 =	ssub.s32 s1, s2  }
0x8e: {  	s13 =	sand.u32 $0x7F, s12;
	s14 =	sshra.s32 s12, $0x1F;
	s1 =	sshll.u32 s1, $0x7  }
0x8f: {  	(v2sf) =	vpush v4, $0x7;
	p1 =	slt.s32 s12, $0x1;
	p2 =	sne.s32 s13, $0x0;
	s1 =	sand.u32 $0x1FFFFF80, s1  }
0x90: {  	s11 =	sshrl.u32 s14, $0x19;
	p0 =	por !p1, !p2;
	s1 =	sadd.s32 s0, s1  }
0x91: {  	[tilespmem:s23], [sflag:$0x1] =	stream.strided.gather [hbm4b:s1+s10], $0x1000, s9, s10, $0x38;
	[tilespmem:$0x1C280] =	vst v63  }
0x92: {  	s2 =	simm.s32 $0x1;
	p0 =	por !p0, !p0;
	s1 =	sadd.s32 s11, s12  }
0x93: {  	s2 =	simm.s32 @!p0 $0x0;
	s1 =	sshrl.u32 s1, $0x7  }
0x94: {  	s1 =	ssub.s32 s1, s2  }
0x95: {  	s1 =	sshll.u32 s1, $0x7  }
0x96: {  	s1 =	sand.u32 $0x1FFFFF80, s1  }
0x97: {  	s12 =	spop (v2sf);
	s1 =	sadd.s32 s0, s1  }
0x98: {  	[tilespmem:s24], [sflag:$0x1] =	stream.strided.gather [hbm4b:s1+s10], $0x1000, s9, s10, $0x38;
	[tilespmem:$0x1C280] =	vst v63  }
0x99: {  	s13 =	sand.u32 $0x7F, s12  }
0x9a: {  	s14 =	sshra.s32 s12, $0x1F;
	p3 =	slt.s32 s12, $0x1;
	p4 =	sne.s32 s13, $0x0  }
0x9b: {  	s3 =	sshrl.u32 s14, $0x19;
	p0 =	por !p3, !p4  }
0x9c: {  	s2 =	simm.s32 $0x1;
	s1 =	sadd.s32 s3, s12;
	p0 =	por !p0, !p0  }
0x9d: {  	s1 =	sshrl.u32 s1, $0x7;
	s2 =	simm.s32 @!p0 $0x0  }
0x9e: {  	s11 =	spop (v2sf);
	s1 =	ssub.s32 s1, s2  }
0x9f: {  	s12 =	sand.u32 $0x7F, s11;
	s13 =	sshra.s32 s11, $0x1F;
	s1 =	sshll.u32 s1, $0x7  }
0xa0: {  	p5 =	slt.s32 s11, $0x1;
	p6 =	sne.s32 s12, $0x0;
	s1 =	sand.u32 $0x1FFFFF80, s1  }
0xa1: {  	s14 =	sshrl.u32 s13, $0x19;
	p0 =	por !p5, !p6;
	s1 =	sadd.s32 s0, s1  }
0xa2: {  	[tilespmem:s25], [sflag:$0x1] =	stream.strided.gather [hbm4b:s1+s10], $0x1000, s9, s10, $0x38;
	[tilespmem:$0x1C280] =	vst v63  }
0xa3: {  	s2 =	simm.s32 $0x1;
	p0 =	por !p0, !p0;
	s1 =	sadd.s32 s14, s11  }
0xa4: {  	s2 =	simm.s32 @!p0 $0x0;
	s1 =	sshrl.u32 s1, $0x7  }
0xa5: {  	s1 =	ssub.s32 s1, s2  }
.Ltmp2:
0xa6: {  	s1 =	sshll.u32 s1, $0x7;
	(pc) =	sbr.rel .LBB2_2-.Ltmp2, $4  }
0xa7: {  	s1 =	sand.u32 $0x1FFFFF80, s1  }
0xa8: {  	s1 =	sadd.s32 s0, s1  }
0xa9: {  	[tilespmem:s26], [sflag:$0x1] =	stream.strided.gather [hbm4b:s1+s10], $0x1000, s9, s10, $0x38;
	[tilespmem:$0x1C280] =	vst v63  }
0xaa: {  	s3 =	simm.s32 $0x0;
	s2 =	simm.s32 $0x10;
	s1 =	simm.s32 $0x7  }
.LBB2_4:
0xab: {  	_ =	swait.ge [sflag:s8], $0x1000  }
0xac: {  	[sflag:s8] =	ssyncset.done $0x0  }
0xad: {  	[sflag:s8] =	ssyncadd.s32 $0xFFFFF000  }
0xae: {  	_ =	swait.ge [sflag:s8], $0x1000  }
0xaf: {  	[sflag:s8] =	ssyncset.done $0x0  }
0xb0: {  	[sflag:s8] =	ssyncadd.s32 $0xFFFFF000  }
0xb1: {  	_ =	swait.ge [sflag:s8], $0x1000  }
0xb2: {  	[sflag:s8] =	ssyncset.done $0x0  }
0xb3: {  	[sflag:s8] =	ssyncadd.s32 $0xFFFFF000  }
0xb4: {  	_ =	swait.ge [sflag:s8], $0x1000  }
0xb5: {  	[sflag:s8] =	ssyncset.done $0x0  }
0xb6: {  	[sflag:s8] =	ssyncadd.s32 $0xFFFFF000  }
0xb7: {  	_ =	swait.ge [sflag:s8], $0x1000  }
0xb8: {  	[sflag:s8] =	ssyncset.done $0x0  }
0xb9: {  	[sflag:s8] =	ssyncadd.s32 $0xFFFFF000  }
0xba: {  	_ =	swait.ge [sflag:s8], $0x1000  }
0xbb: {  	[sflag:s8] =	ssyncset.done $0x0  }
0xbc: {  	[sflag:s8] =	ssyncadd.s32 $0xFFFFF000  }
0xbd: {  	_ =	swait.ge [sflag:s8], $0x1000  }
0xbe: {  	[sflag:s8] =	ssyncset.done $0x0  }
0xbf: {  	[sflag:s8] =	ssyncadd.s32 $0xFFFFF000  }
0xc0: {  	_ =	swait.ge [sflag:s8], $0x1000  }
0xc1: {  	(v2sf) =	vpush v5, $0x0;
	_ =	sdelay $0xb  }
0xc2: {  	(v2sf) =	vpush v5, $0x1;
	_ =	sdelay $0x2  }
0xc3: {  	s11 =	spop (v2sf)  }
0xc4: {  	s12 =	smul.u32 $0xAB, s3;
	s13 =	sshra.s32 s11, $0x1F  }
0xc5: {  	s13 =	sshrl.u32 s13, $0x19  }
0xc6: {  	s12 =	sshrl.u32 s12, $0x9;
	s13 =	sadd.s32 s13, s11  }
0xc7: {  	s12 =	sand.u32 $0x7F, s12;
	s13 =	sand.u32 $0xFFFFFF80, s13  }
0xc8: {  	s12 =	smul.u32 $0x3, s12;
	s13 =	ssub.s32 s11, s13  }
0xc9: {  	s14 =	sadd.s32 $0xFFFFFFF9, s1;
	v7 =	vadd.s32 s13, v0  }
0xca: {  	v8 =	vmov s14;
	s12 =	ssub.s32 s3, s12  }
0xcb: {  	v9 =	vshll.u32 v8, $0x3;
	s12 =	sand.u32 $0xFF, s12  }
0xcc: {  	v8 =	vand.u32 $0x78, v8;
	v9 =	vand.u32 $0xC00, v9;
	[sflag:s8] =	ssyncset.done $0x0;
	(v2sf) =	vpush v5, $0x2;
	s11 =	sshll.u32 s12, $0xF  }
0xcd: {  	v8 =	vor.u32 v8, v9;
	[sflag:s8] =	ssyncadd.s32 $0xFFFFF000;
	s12 =	sor.u32 $0x280, s11  }
0xce: {  	v9 =	vor.u32 v1, v8;
	v7 =	vld.idx.msk [tilespmem:v7+s12+$0x0], $0xffff  }
0xcf: {  	v10 =	vadd.s32 s13, v2;
	s13 =	spop (v2sf)  }
0xd0: {  	s14 =	sshra.s32 s13, $0x1F  }
0xd1: {  	s14 =	sshrl.u32 s14, $0x19  }
0xd2: {  	s14 =	sadd.s32 s14, s13  }
0xd3: {  	s14 =	sand.u32 $0xFFFFFF80, s14;
	[tilespmem:v9+s28+$0x0] =	vst.idx.msk $0xffff, v7  }
0xd4: {  	v8 =	vor.u32 v3, v8;
	v7 =	vld.idx.msk [tilespmem:v10+s12+$0x0], $0xffff;
	s12 =	ssub.s32 s13, s14  }
0xd5: {  	s14 =	sadd.s32 $0xFFFFFFFA, s1;
	v29 =	vadd.s32 s12, v0  }
0xd6: {  	v30 =	vmov s14  }
0xd7: {  	v11 =	vshll.u32 v30, $0x3  }
0xd8: {  	(v2sf) =	vpush v5, $0x3;
	v10 =	vand.u32 $0x79, v30;
	v11 =	vand.u32 $0xC00, v11  }
0xd9: {  	s13 =	sor.u32 $0x1280, s11;
	[tilespmem:v8+s28+$0x0] =	vst.idx.msk $0xffff, v7;
	v7 =	vor.u32 v10, v11  }
0xda: {  	v8 =	vld.idx.msk [tilespmem:v29+s13+$0x0], $0xffff;
	v31 =	vor.u32 v1, v7  }
0xdb: {  	v32 =	vadd.s32 s12, v2;
	s12 =	spop (v2sf)  }
0xdc: {  	s14 =	sshra.s32 s12, $0x1F  }
0xdd: {  	s14 =	sshrl.u32 s14, $0x19  }
0xde: {  	s14 =	sadd.s32 s14, s12  }
0xdf: {  	s14 =	sand.u32 $0xFFFFFF80, s14;
	[tilespmem:v31+s28+$0x0] =	vst.idx.msk $0xffff, v8  }
0xe0: {  	v7 =	vor.u32 v3, v7;
	s12 =	ssub.s32 s12, s14;
	v8 =	vld.idx.msk [tilespmem:v32+s13+$0x0], $0xffff  }
0xe1: {  	s14 =	sadd.s32 $0xFFFFFFFB, s1;
	v33 =	vadd.s32 s12, v0  }
0xe2: {  	v34 =	vmov s14  }
0xe3: {  	v35 =	vshll.u32 v34, $0x3  }
0xe4: {  	(v2sf) =	vpush v5, $0x4;
	v10 =	vand.u32 $0x7A, v34;
	v11 =	vand.u32 $0xC00, v35  }
0xe5: {  	s13 =	sor.u32 $0x2280, s11;
	[tilespmem:v7+s28+$0x0] =	vst.idx.msk $0xffff, v8;
	v7 =	vor.u32 v10, v11  }
0xe6: {  	v8 =	vld.idx.msk [tilespmem:v33+s13+$0x0], $0xffff;
	v36 =	vor.u32 v1, v7  }
0xe7: {  	v37 =	vadd.s32 s12, v2;
	s12 =	spop (v2sf)  }
0xe8: {  	s14 =	sshra.s32 s12, $0x1F  }
0xe9: {  	s14 =	sshrl.u32 s14, $0x19  }
0xea: {  	s14 =	sadd.s32 s14, s12  }
0xeb: {  	s14 =	sand.u32 $0xFFFFFF80, s14;
	[tilespmem:v36+s28+$0x0] =	vst.idx.msk $0xffff, v8  }
0xec: {  	s12 =	ssub.s32 s12, s14;
	v7 =	vor.u32 v3, v7;
	v8 =	vld.idx.msk [tilespmem:v37+s13+$0x0], $0xffff  }
0xed: {  	s14 =	sadd.s32 $0xFFFFFFFC, s1;
	v38 =	vadd.s32 s12, v0  }
0xee: {  	v39 =	vmov s14  }
0xef: {  	v40 =	vshll.u32 v39, $0x3  }
0xf0: {  	(v2sf) =	vpush v5, $0x5;
	v10 =	vand.u32 $0x7B, v39;
	v11 =	vand.u32 $0xC00, v40  }
0xf1: {  	s13 =	sor.u32 $0x3280, s11;
	[tilespmem:v7+s28+$0x0] =	vst.idx.msk $0xffff, v8;
	v7 =	vor.u32 v10, v11  }
0xf2: {  	v8 =	vld.idx.msk [tilespmem:v38+s13+$0x0], $0xffff;
	v41 =	vor.u32 v1, v7  }
0xf3: {  	v42 =	vadd.s32 s12, v2;
	s12 =	spop (v2sf)  }
0xf4: {  	s14 =	sshra.s32 s12, $0x1F  }
0xf5: {  	s14 =	sshrl.u32 s14, $0x19  }
0xf6: {  	s14 =	sadd.s32 s14, s12  }
0xf7: {  	s14 =	sand.u32 $0xFFFFFF80, s14;
	[tilespmem:v41+s28+$0x0] =	vst.idx.msk $0xffff, v8  }
0xf8: {  	s12 =	ssub.s32 s12, s14;
	v7 =	vor.u32 v3, v7;
	v8 =	vld.idx.msk [tilespmem:v42+s13+$0x0], $0xffff  }
0xf9: {  	s14 =	sadd.s32 $0xFFFFFFFD, s1;
	v43 =	vadd.s32 s12, v0  }
0xfa: {  	v44 =	vmov s14  }
0xfb: {  	v45 =	vshll.u32 v44, $0x3  }
0xfc: {  	(v2sf) =	vpush v5, $0x6;
	v10 =	vand.u32 $0x7C, v44;
	v11 =	vand.u32 $0xC00, v45  }
0xfd: {  	s13 =	sor.u32 $0x4280, s11;
	[tilespmem:v7+s28+$0x0] =	vst.idx.msk $0xffff, v8;
	v7 =	vor.u32 v10, v11  }
0xfe: {  	v8 =	vld.idx.msk [tilespmem:v43+s13+$0x0], $0xffff;
	v46 =	vor.u32 v1, v7  }
0xff: {  	v47 =	vadd.s32 s12, v2;
	s12 =	spop (v2sf)  }
0x100: {  	s14 =	sshra.s32 s12, $0x1F  }
0x101: {  	s14 =	sshrl.u32 s14, $0x19  }
0x102: {  	s14 =	sadd.s32 s14, s12  }
0x103: {  	s14 =	sand.u32 $0xFFFFFF80, s14;
	[tilespmem:v46+s28+$0x0] =	vst.idx.msk $0xffff, v8  }
0x104: {  	s12 =	ssub.s32 s12, s14;
	v7 =	vor.u32 v3, v7;
	v8 =	vld.idx.msk [tilespmem:v47+s13+$0x0], $0xffff  }
0x105: {  	s14 =	sadd.s32 $0xFFFFFFFE, s1;
	v48 =	vadd.s32 s12, v0  }
0x106: {  	v49 =	vmov s14  }
0x107: {  	v50 =	vshll.u32 v49, $0x3  }
0x108: {  	(v2sf) =	vpush v5, $0x7;
	v5 =	vand.u32 $0x7D, v49;
	v51 =	vand.u32 $0xC00, v50  }
0x109: {  	v5 =	vor.u32 v5, v51;
	s13 =	sor.u32 $0x5280, s11;
	[tilespmem:v7+s28+$0x0] =	vst.idx.msk $0xffff, v8  }
0x10a: {  	v52 =	vor.u32 v1, v5;
	v7 =	vld.idx.msk [tilespmem:v48+s13+$0x0], $0xffff  }
0x10b: {  	v53 =	vadd.s32 s12, v2;
	s14 =	spop (v2sf)  }
0x10c: {  	s12 =	sshra.s32 s14, $0x1F  }
0x10d: {  	s12 =	sshrl.u32 s12, $0x19  }
0x10e: {  	s12 =	sadd.s32 s12, s14  }
0x10f: {  	s12 =	sand.u32 $0xFFFFFF80, s12;
	[tilespmem:v52+s28+$0x0] =	vst.idx.msk $0xffff, v7  }
0x110: {  	v5 =	vor.u32 v3, v5;
	s12 =	ssub.s32 s14, s12;
	v7 =	vld.idx.msk [tilespmem:v53+s13+$0x0], $0xffff  }
0x111: {  	s14 =	sadd.s32 $0xFFFFFFFF, s1;
	v54 =	vadd.s32 s12, v0  }
0x112: {  	v55 =	vmov s14  }
0x113: {  	v56 =	vshll.u32 v55, $0x3  }
0x114: {  	v9 =	vand.u32 $0x7E, v55;
	v10 =	vand.u32 $0xC00, v56  }
0x115: {  	s13 =	sor.u32 $0x6280, s11;
	[tilespmem:v5+s28+$0x0] =	vst.idx.msk $0xffff, v7;
	v5 =	vor.u32 v9, v10  }
0x116: {  	v7 =	vld.idx.msk [tilespmem:v54+s13+$0x0], $0xffff;
	v57 =	vor.u32 v1, v5  }
0x117: {  	v58 =	vadd.s32 s12, v2;
	s12 =	spop (v2sf)  }
0x118: {  	s14 =	sshra.s32 s12, $0x1F  }
0x119: {  	s14 =	sshrl.u32 s14, $0x19  }
0x11a: {  	s14 =	sadd.s32 s14, s12  }
0x11b: {  	s14 =	sand.u32 $0xFFFFFF80, s14;
	[tilespmem:v57+s28+$0x0] =	vst.idx.msk $0xffff, v7  }
0x11c: {  	s12 =	ssub.s32 s12, s14;
	v5 =	vor.u32 v3, v5;
	v7 =	vld.idx.msk [tilespmem:v58+s13+$0x0], $0xffff  }
0x11d: {  	v59 =	vadd.s32 s12, v0  }
0x11e: {  	v60 =	vmov s1  }
0x11f: {  	v61 =	vshll.u32 v60, $0x3  }
0x120: {  	v9 =	vand.u32 $0x7F, v60;
	v10 =	vand.u32 $0xC00, v61  }
0x121: {  	s11 =	sor.u32 $0x7280, s11;
	[tilespmem:v5+s28+$0x0] =	vst.idx.msk $0xffff, v7;
	v5 =	vor.u32 v9, v10  }
0x122: {  	v7 =	vld.idx.msk [tilespmem:v59+s11+$0x0], $0xffff;
	v62 =	vor.u32 v1, v5  }
0x123: {  	v63 =	vadd.s32 s12, v2;
	_ =	sdelay $0x3  }
0x124: {  	s1 =	sadd.s32 $0x8, s1;
	[tilespmem:v62+s28+$0x0] =	vst.idx.msk $0xffff, v7  }
0x125: {  	p0 =	sne.s32 s1, $0x207;
	v5 =	vor.u32 v3, v5;
	v7 =	vld.idx.msk [tilespmem:v63+s11+$0x0], $0xffff  }
.Ltmp3:
0x126: {  	_ = 	snop;
	(pc) =	sbr.rel @!p0 .LBB2_5-.Ltmp3, $2  }
0x127: {  	_ =	sdelay $0x2  }
0x128: {  	s2 =	sadd.s32 $0x8, s2;
	s3 =	sadd.s32 $0x1, s3;
	[tilespmem:v5+s28+$0x0] =	vst.idx.msk $0xffff, v7;
	v5 =	vmov v6  }
.LBB2_2:
0x129: {  	p0 =	sgt.u32 s3, $0x3D  }
.Ltmp4:
0x12a: {  	_ = 	snop;
	(pc) =	sbr.rel @p0 .LBB2_4-.Ltmp4, $2  }
0x12b: {  	_ =	sdelay $0x2  }
0x12c: {  	v6 =	vmov v4;
	v4 =	vld [tilespmem:s2+$0x0]  }
0x12d: {  	_ =	sdelay $0x3  }
0x12e: {  	(v2sf) =	vpush v4, $0x0;
	_ =	sdelay $0xa  }
0x12f: {  	(v2sf) =	vpush v4, $0x1  }
0x130: {  	s11 =	sadd.s32 $0x2, s3  }
0x131: {  	s12 =	smul.u32 $0xAB, s11;
	_ =	sdelay $0x1  }
0x132: {  	s12 =	sshrl.u32 s12, $0x9;
	s13 =	spop (v2sf)  }
0x133: {  	s12 =	sand.u32 $0x7F, s12;
	s14 =	sand.u32 $0x7F, s13  }
0x134: {  	p1 =	slt.s32 s13, $0x1;
	p0 =	sne.s32 s14, $0x0;
	s14 =	sshra.s32 s13, $0x1F  }
0x135: {  	s12 =	smul.u32 $0x3, s12;
	s14 =	sshrl.u32 s14, $0x19;
	p0 =	por !p1, !p0  }
0x136: {  	s13 =	sadd.s32 s14, s13;
	p0 =	por !p0, !p0;
	s14 =	simm.s32 $0x1  }
0x137: {  	s13 =	sshrl.u32 s13, $0x7;
	s14 =	simm.s32 @!p0 $0x0  }
0x138: {  	s11 =	ssub.s32 s11, s12;
	s13 =	ssub.s32 s13, s14  }
0x139: {  	s11 =	sand.u32 $0xFF, s11;
	(v2sf) =	vpush v4, $0x2;
	s12 =	sshll.u32 s13, $0x7  }
0x13a: {  	s11 =	sshll.u32 s11, $0xF;
	s12 =	sand.u32 $0x1FFFFF80, s12  }
0x13b: {  	s14 =	sor.u32 $0x280, s11;
	s12 =	sadd.s32 s0, s12  }
0x13c: {  	[tilespmem:s14], [sflag:$0x1] =	stream.strided.gather [hbm4b:s12+s10], $0x1000, s9, s10, $0x38;
	[tilespmem:$0x1C280] =	vst v63  }
0x13d: {  	s12 =	spop (v2sf)  }
0x13e: {  	s13 =	sand.u32 $0x7F, s12  }
0x13f: {  	s14 =	sshra.s32 s12, $0x1F;
	p5 =	slt.s32 s12, $0x1;
	p6 =	sne.s32 s13, $0x0  }
0x140: {  	s14 =	sshrl.u32 s14, $0x19;
	p0 =	por !p5, !p6  }
0x141: {  	s13 =	simm.s32 $0x1;
	s12 =	sadd.s32 s14, s12;
	p0 =	por !p0, !p0  }
0x142: {  	s12 =	sshrl.u32 s12, $0x7;
	s13 =	simm.s32 @!p0 $0x0  }
0x143: {  	s12 =	ssub.s32 s12, s13  }
0x144: {  	(v2sf) =	vpush v4, $0x3;
	s12 =	sshll.u32 s12, $0x7  }
0x145: {  	s12 =	sand.u32 $0x1FFFFF80, s12  }
0x146: {  	s14 =	sor.u32 $0x1280, s11;
	s12 =	sadd.s32 s0, s12  }
0x147: {  	[tilespmem:s14], [sflag:$0x1] =	stream.strided.gather [hbm4b:s12+s10], $0x1000, s9, s10, $0x38;
	[tilespmem:$0x1C280] =	vst v63  }
0x148: {  	s12 =	spop (v2sf)  }
0x149: {  	s13 =	sand.u32 $0x7F, s12  }
0x14a: {  	s14 =	sshra.s32 s12, $0x1F;
	p1 =	slt.s32 s12, $0x1;
	p2 =	sne.s32 s13, $0x0  }
0x14b: {  	s14 =	sshrl.u32 s14, $0x19;
	p0 =	por !p1, !p2  }
0x14c: {  	s13 =	simm.s32 $0x1;
	s12 =	sadd.s32 s14, s12;
	p0 =	por !p0, !p0  }
0x14d: {  	s12 =	sshrl.u32 s12, $0x7;
	s13 =	simm.s32 @!p0 $0x0  }
0x14e: {  	s12 =	ssub.s32 s12, s13  }
0x14f: {  	(v2sf) =	vpush v4, $0x4;
	s12 =	sshll.u32 s12, $0x7  }
0x150: {  	s12 =	sand.u32 $0x1FFFFF80, s12  }
0x151: {  	s14 =	sor.u32 $0x2280, s11;
	s12 =	sadd.s32 s0, s12  }
0x152: {  	[tilespmem:s14], [sflag:$0x1] =	stream.strided.gather [hbm4b:s12+s10], $0x1000, s9, s10, $0x38;
	[tilespmem:$0x1C280] =	vst v63  }
0x153: {  	s12 =	spop (v2sf)  }
0x154: {  	s13 =	sand.u32 $0x7F, s12  }
0x155: {  	s14 =	sshra.s32 s12, $0x1F;
	p3 =	slt.s32 s12, $0x1;
	p4 =	sne.s32 s13, $0x0  }
0x156: {  	s14 =	sshrl.u32 s14, $0x19;
	p0 =	por !p3, !p4  }
0x157: {  	s13 =	simm.s32 $0x1;
	s12 =	sadd.s32 s14, s12;
	p0 =	por !p0, !p0  }
0x158: {  	s12 =	sshrl.u32 s12, $0x7;
	s13 =	simm.s32 @!p0 $0x0  }
0x159: {  	s12 =	ssub.s32 s12, s13  }
0x15a: {  	(v2sf) =	vpush v4, $0x5;
	s12 =	sshll.u32 s12, $0x7  }
0x15b: {  	s12 =	sand.u32 $0x1FFFFF80, s12  }
0x15c: {  	s14 =	sor.u32 $0x3280, s11;
	s12 =	sadd.s32 s0, s12  }
0x15d: {  	[tilespmem:s14], [sflag:$0x1] =	stream.strided.gather [hbm4b:s12+s10], $0x1000, s9, s10, $0x38;
	[tilespmem:$0x1C280] =	vst v63  }
0x15e: {  	s12 =	spop (v2sf)  }
0x15f: {  	s13 =	sand.u32 $0x7F, s12  }
0x160: {  	s14 =	sshra.s32 s12, $0x1F;
	p5 =	slt.s32 s12, $0x1;
	p6 =	sne.s32 s13, $0x0  }
0x161: {  	s14 =	sshrl.u32 s14, $0x19;
	p0 =	por !p5, !p6  }
0x162: {  	s13 =	simm.s32 $0x1;
	s12 =	sadd.s32 s14, s12;
	p0 =	por !p0, !p0  }
0x163: {  	(v2sf) =	vpush v4, $0x6;
	s12 =	sshrl.u32 s12, $0x7;
	s13 =	simm.s32 @!p0 $0x0  }
0x164: {  	s12 =	ssub.s32 s12, s13  }
0x165: {  	s12 =	sshll.u32 s12, $0x7  }
0x166: {  	s12 =	sand.u32 $0x1FFFFF80, s12  }
0x167: {  	s14 =	sor.u32 $0x4280, s11;
	s12 =	sadd.s32 s0, s12  }
0x168: {  	[tilespmem:s14], [sflag:$0x1] =	stream.strided.gather [hbm4b:s12+s10], $0x1000, s9, s10, $0x38;
	[tilespmem:$0x1C280] =	vst v63  }
0x169: {  	s12 =	spop (v2sf)  }
0x16a: {  	s13 =	sand.u32 $0x7F, s12  }
0x16b: {  	s14 =	sshra.s32 s12, $0x1F;
	p1 =	slt.s32 s12, $0x1;
	p2 =	sne.s32 s13, $0x0  }
0x16c: {  	s14 =	sshrl.u32 s14, $0x19;
	p0 =	por !p1, !p2  }
0x16d: {  	s13 =	simm.s32 $0x1;
	s12 =	sadd.s32 s14, s12;
	p0 =	por !p0, !p0  }
0x16e: {  	s12 =	sshrl.u32 s12, $0x7;
	s13 =	simm.s32 @!p0 $0x0  }
0x16f: {  	(v2sf) =	vpush v4, $0x7;
	s12 =	ssub.s32 s12, s13  }
0x170: {  	s12 =	sshll.u32 s12, $0x7  }
0x171: {  	s12 =	sand.u32 $0x1FFFFF80, s12  }
0x172: {  	s14 =	sor.u32 $0x5280, s11;
	s13 =	spop (v2sf);
	s12 =	sadd.s32 s0, s12  }
0x173: {  	[tilespmem:s14], [sflag:$0x1] =	stream.strided.gather [hbm4b:s12+s10], $0x1000, s9, s10, $0x38;
	[tilespmem:$0x1C280] =	vst v63  }
0x174: {  	s12 =	sand.u32 $0x7F, s13  }
0x175: {  	p3 =	slt.s32 s13, $0x1;
	s14 =	sshra.s32 s13, $0x1F;
	p4 =	sne.s32 s12, $0x0  }
0x176: {  	s14 =	sshrl.u32 s14, $0x19;
	p0 =	por !p3, !p4  }
0x177: {  	s12 =	sadd.s32 s14, s13;
	s13 =	simm.s32 $0x1;
	p0 =	por !p0, !p0  }
0x178: {  	s12 =	sshrl.u32 s12, $0x7;
	s13 =	simm.s32 @!p0 $0x0  }
0x179: {  	s12 =	ssub.s32 s12, s13  }
0x17a: {  	s12 =	sshll.u32 s12, $0x7  }
0x17b: {  	s12 =	sand.u32 $0x1FFFFF80, s12  }
0x17c: {  	s14 =	sor.u32 $0x6280, s11;
	s12 =	sadd.s32 s0, s12  }
0x17d: {  	[tilespmem:s14], [sflag:$0x1] =	stream.strided.gather [hbm4b:s12+s10], $0x1000, s9, s10, $0x38;
	[tilespmem:$0x1C280] =	vst v63  }
0x17e: {  	s12 =	spop (v2sf)  }
0x17f: {  	s13 =	sand.u32 $0x7F, s12  }
0x180: {  	s14 =	sshra.s32 s12, $0x1F;
	p5 =	slt.s32 s12, $0x1;
	p6 =	sne.s32 s13, $0x0  }
0x181: {  	s14 =	sshrl.u32 s14, $0x19;
	p0 =	por !p5, !p6  }
0x182: {  	s13 =	simm.s32 $0x1;
	s12 =	sadd.s32 s14, s12;
	p0 =	por !p0, !p0  }
0x183: {  	s12 =	sshrl.u32 s12, $0x7;
	s13 =	simm.s32 @!p0 $0x0  }
.Ltmp5:
0x184: {  	s12 =	ssub.s32 s12, s13;
	(pc) =	sbr.rel .LBB2_4-.Ltmp5, $4  }
0x185: {  	s12 =	sshll.u32 s12, $0x7  }
0x186: {  	s12 =	sand.u32 $0x1FFFFF80, s12  }
0x187: {  	s11 =	sor.u32 $0x7280, s11;
	s12 =	sadd.s32 s0, s12  }
0x188: {  	[tilespmem:s11], [sflag:$0x1] =	stream.strided.gather [hbm4b:s12+s10], $0x1000, s9, s10, $0x38;
	[tilespmem:$0x1C280] =	vst v63  }
.LBB2_6:
0x189: {  	_ =	sfence.sel $0x180000  }
0x18a: {  	[bflag:$0x0] =	sbarrier.arrive $0xFFFF  }
0x18b: {  	_ =	strace $0x90000047  }
0x18c: {  	s0 =	stileid.u32;
	[bflag:$0x2] =	sbarrier.arrive $0xFFFF  }
0x18d: {  	p0 =	sne.s32 s0, $0x0;
	s0 =	rddreg [dreg:$0x3]  }
0x18e: {  	s0 =	sadd.s32 @!p0 $0x100000, s0  }
0x18f: {  	[sflag:s0] =	ssyncadd.tile.s32 @!p0 $0x1;
	_ =	shalt  }
.Lfunc_end2:
_tile_overlayer_lowered:
.L_overlay_start_2:
0x190: {  	(tag) =	ssettag $0x2  }
0x191: {  	s0 =	rddreg [dreg:$0x0];
	s2 =	stileid.u32  }
0x192: {  	s1 =	rddreg [dreg:$0x1];
	p0 =	sne.s32 s2, $0x0  }
0x193: {  	s3 =	rddreg [dreg:$0x2];
	[bflag:$0x3] =	sbarrier.arrive $0xFFFF;
	s2 =	simm.s32 @!p0 $0x1C02  }
0x194: {  	[timem:s3], [sflag:s2] =	dma.local @!p0 [hbm:s0], s1  }
0x195: {  	s0 =	simm.s32 @!p0 $0x2  }
0x196: {  	_ =	swait.ge @!p0 [sflag:s0], s1  }
0x197: {  	s1 =	ssub.s32 @!p0 $0x0, s1;
	[sflag:s0] =	ssyncset.done @!p0 $0x0  }
0x198: {  	[sflag:s0] =	ssyncadd.s32 @!p0 s1  }
0x199: {  	[bflag:$0x3] =	sbarrier.arrive $0xFFFF  }
0x19a: {  	_ =	shalt  }

</sc_bundles>
